<compile_context>
chip_gen: v7x
topology: tpu7x:2x2x1
jax: 0.10.2.dev20260603
libtpu: 0.0.44.dev20260713+nightly
codegen_flags: <defaults>
</compile_context>

<pallas_src>
import functools

import jax
import jax.numpy as jnp
from jax import lax
from jax.experimental import pallas as pl
from jax.experimental.pallas import tpu as pltpu
from jax.experimental.pallas import tpu_sc as plsc

NC = 2
NS = 16
NW = NC * NS

B = 16384 * 26
D = 64
B_PER_W = B // NW
CHUNK = 512
N_CHUNKS = B_PER_W // CHUNK
NBUF = 3


def _gather_body(table_hbm, idx_hbm, out_hbm, idx_all, *rest):
    rows = rest[:NBUF]
    gsems = rest[NBUF:2 * NBUF]
    wsems = rest[2 * NBUF:3 * NBUF]
    wid = lax.axis_index("s") * NC + lax.axis_index("c")
    base = wid * B_PER_W
    pltpu.sync_copy(idx_hbm.at[wid], idx_all)

    hg = {}
    hw = {}

    def issue(i):
        b = i % NBUF
        if i >= NBUF:
            hw[i - NBUF].wait()
        hg[i] = pltpu.async_copy(table_hbm.at[idx_all.at[i]], rows[b], gsems[b])

    for i in range(min(NBUF, N_CHUNKS)):
        issue(i)
    for i in range(N_CHUNKS):
        b = i % NBUF
        hg[i].wait()
        hw[i] = pltpu.async_copy(
            rows[b], out_hbm.at[pl.ds(base + i * CHUNK, CHUNK)], wsems[b])
        if i + NBUF < N_CHUNKS:
            issue(i + NBUF)
    for i in range(max(0, N_CHUNKS - NBUF), N_CHUNKS):
        hw[i].wait()


_gather_call = functools.partial(
    pl.kernel,
    out_type=jax.ShapeDtypeStruct((B, D), jnp.float32),
    mesh=plsc.VectorSubcoreMesh(core_axis_name="c", subcore_axis_name="s"),
    scratch_types=(
        [pltpu.VMEM((N_CHUNKS, CHUNK), jnp.int32)]
        + [pltpu.VMEM((CHUNK, D), jnp.float32) for _ in range(NBUF)]
        + [pltpu.SemaphoreType.DMA for _ in range(2 * NBUF)]
    ),
    compiler_params=pltpu.CompilerParams(use_tc_tiling_on_sc=False),
)(_gather_body)


@jax.jit
def kernel(arg0_1, arg1_1):
    idx = arg0_1.reshape(-1).astype(jnp.int32).reshape(NW, N_CHUNKS, CHUNK)
    out = _gather_call(arg1_1, idx)
    return (out.reshape(arg0_1.shape + (D,)),)

# --- scband reference (transcript-rebuilt; emitter-appended) ---
"""Pipeline reference for scband-repro-11879879542541 (READ-ONLY COPY).

The authoritative reference and input builder live on the scoring server;
editing this copy changes nothing except your own understanding.
"""

import jax, jax.numpy as jnp
import numpy as np


def setup_inputs(seed: int = 0) -> dict:
    key = jax.random.key(seed)
    k0, k1 = jax.random.split(key)
    arg0_1 = jax.random.randint(k0, (16384, 26), 0, 1000000, dtype=jnp.int64)
    arg1_1 = jax.random.normal(k1, (1000000, 64), dtype=jnp.float32)
    return {"arg0_1": arg0_1, "arg1_1": arg1_1}


def reference(arg0_1, arg1_1):
    # aten.index.Tensor(arg1_1, [arg0_1]) == advanced indexing on dim 0 == gather rows
    index_tensor = jnp.take(arg1_1, arg0_1, axis=0)
    return (index_tensor,)

if __name__ == "__main__":
    import jax
    _d = setup_inputs()
    print(jax.jit(kernel)(*tuple(_d.values())))

</pallas_src>

<mosaic_0001>
#map = affine_map<(d0, d1) -> (0, 0)>
#map1 = affine_map<(d0, d1) -> (0, 0, 0)>
module attributes {stable_mosaic.version = 14 : i64} {
  func.func @_gather_body(%arg0: i32, %arg1: i32, %arg2: memref<1000000x64xf32, #tpu.memory_space<hbm>>, %arg3: memref<32x26x512xi32, #tpu.memory_space<hbm>>, %arg4: memref<425984x64xf32, #tpu.memory_space<hbm>>, %arg5: memref<26x512xi32, #tpu.memory_space<vmem>>, %arg6: memref<512x64xf32, #tpu.memory_space<vmem>>, %arg7: memref<512x64xf32, #tpu.memory_space<vmem>>, %arg8: memref<512x64xf32, #tpu.memory_space<vmem>>, %arg9: memref<!tpu.dma_semaphore, #tpu.memory_space<semaphore_mem>>, %arg10: memref<!tpu.dma_semaphore, #tpu.memory_space<semaphore_mem>>, %arg11: memref<!tpu.dma_semaphore, #tpu.memory_space<semaphore_mem>>, %arg12: memref<!tpu.dma_semaphore, #tpu.memory_space<semaphore_mem>>, %arg13: memref<!tpu.dma_semaphore, #tpu.memory_space<semaphore_mem>>, %arg14: memref<!tpu.dma_semaphore, #tpu.memory_space<semaphore_mem>>) attributes {dimension_semantics = [#tpu.dimension_semantics<core_parallel>, #tpu.dimension_semantics<subcore_parallel>], iteration_bounds = array<i64: 2, 16>, scalar_prefetch = 0 : i64, scratch_operands = 10 : i64, tpu.core_type = #tpu.core_type<sc_vector_subcore>, window_params = [{transform_indices = #map}, {transform_indices = #map1}, {transform_indices = #map}]} {
    %mul3A = arith.constant 2 : i32
    %mul3A_0 = arith.muli %arg1, %mul3A : i32
    %add3A = arith.addi %mul3A_0, %arg0 : i32
    %mul3A_1 = arith.constant 13312 : i32
    %mul3A_2 = arith.muli %add3A, %mul3A_1 : i32
    "tpu.region"() ({
      %run_scoped3A = tpu.sem_alloc : memref<!tpu.dma_semaphore, #tpu.memory_space<semaphore_mem>>
      %dma_start3A_625 = arith.constant 0 : i32
      %dma_start3A_626 = arith.constant 0 : i32
      %dma_start3A_627 = tpu.memref_slice %arg3[%add3A, %dma_start3A_625, %dma_start3A_626] : memref<32x26x512xi32, #tpu.memory_space<hbm>> -> memref<1x26x512xi32, #tpu.memory_space<hbm>>
      %dma_start3A_628 = tpu.memref_squeeze %dma_start3A_627 : memref<1x26x512xi32, #tpu.memory_space<hbm>> -> memref<26x512xi32, #tpu.memory_space<hbm>>
      %dma_start3A_629 = arith.constant 0 : i32
      %dma_start3A_630 = arith.constant 0 : i32
      %dma_start3A_631 = tpu.memref_slice %arg3[%add3A, %dma_start3A_629, %dma_start3A_630] : memref<32x26x512xi32, #tpu.memory_space<hbm>> -> memref<1x26x512xi32, #tpu.memory_space<hbm>>
      %dma_start3A_632 = tpu.memref_squeeze %dma_start3A_631 : memref<1x26x512xi32, #tpu.memory_space<hbm>> -> memref<26x512xi32, #tpu.memory_space<hbm>>
      tpu.enqueue_dma source(%dma_start3A_632 : memref<26x512xi32, #tpu.memory_space<hbm>>) target(%arg5 : memref<26x512xi32, #tpu.memory_space<vmem>>) target_semaphore(%run_scoped3A : memref<!tpu.dma_semaphore, #tpu.memory_space<semaphore_mem>>)
      %dma_wait3A_633 = arith.constant 0 : i32
      %dma_wait3A_634 = arith.constant 0 : i32
      %dma_wait3A_635 = tpu.memref_slice %arg3[%add3A, %dma_wait3A_633, %dma_wait3A_634] : memref<32x26x512xi32, #tpu.memory_space<hbm>> -> memref<1x26x512xi32, #tpu.memory_space<hbm>>
      %dma_wait3A_636 = tpu.memref_squeeze %dma_wait3A_635 : memref<1x26x512xi32, #tpu.memory_space<hbm>> -> memref<26x512xi32, #tpu.memory_space<hbm>>
      %dma_wait3A_637 = arith.constant 0 : i32
      %dma_wait3A_638 = arith.constant 0 : i32
      %dma_wait3A_639 = tpu.memref_slice %arg3[%add3A, %dma_wait3A_637, %dma_wait3A_638] : memref<32x26x512xi32, #tpu.memory_space<hbm>> -> memref<1x26x512xi32, #tpu.memory_space<hbm>>
      %dma_wait3A_640 = tpu.memref_squeeze %dma_wait3A_639 : memref<1x26x512xi32, #tpu.memory_space<hbm>> -> memref<26x512xi32, #tpu.memory_space<hbm>>
      tpu.wait_dma2 semaphore(%run_scoped3A : memref<!tpu.dma_semaphore, #tpu.memory_space<semaphore_mem>>) src(%dma_wait3A_640 : memref<26x512xi32, #tpu.memory_space<hbm>>) dst(%arg5 : memref<26x512xi32, #tpu.memory_space<vmem>>)
      tpu.yield
    }) : () -> ()
    %dma_start3A = arith.constant 0 : i32
    %dma_start3A_3 = arith.constant 0 : i32
    %dma_start3A_4 = tpu.memref_slice %arg5[%dma_start3A, %dma_start3A_3] : memref<26x512xi32, #tpu.memory_space<vmem>> -> memref<1x512xi32, #tpu.memory_space<vmem>>
    %dma_start3A_5 = tpu.memref_squeeze %dma_start3A_4 : memref<1x512xi32, #tpu.memory_space<vmem>> -> memref<512xi32, #tpu.memory_space<vmem>>
    %dma_start3A_6 = arith.constant 0 : i32
    %dma_start3A_7 = arith.constant 0 : i32
    %dma_start3A_8 = tpu.memref_slice %arg2[%dma_start3A_6, %dma_start3A_7] : memref<1000000x64xf32, #tpu.memory_space<hbm>> -> memref<1000000x64xf32, #tpu.memory_space<hbm>>
    tpu.enqueue_indirect_dma source(%dma_start3A_8 : memref<1000000x64xf32, #tpu.memory_space<hbm>>) target(%arg6 : memref<512x64xf32, #tpu.memory_space<vmem>>) offsets(%dma_start3A_5 : memref<512xi32, #tpu.memory_space<vmem>>) semaphore(%arg9 : memref<!tpu.dma_semaphore, #tpu.memory_space<semaphore_mem>>)
    %dma_start3A_9 = arith.constant 1 : i32
    %dma_start3A_10 = arith.constant 0 : i32
    %dma_start3A_11 = tpu.memref_slice %arg5[%dma_start3A_9, %dma_start3A_10] : memref<26x512xi32, #tpu.memory_space<vmem>> -> memref<1x512xi32, #tpu.memory_space<vmem>>
    %dma_start3A_12 = tpu.memref_squeeze %dma_start3A_11 : memref<1x512xi32, #tpu.memory_space<vmem>> -> memref<512xi32, #tpu.memory_space<vmem>>
    %dma_start3A_13 = arith.constant 0 : i32
    %dma_start3A_14 = arith.constant 0 : i32
    %dma_start3A_15 = tpu.memref_slice %arg2[%dma_start3A_13, %dma_start3A_14] : memref<1000000x64xf32, #tpu.memory_space<hbm>> -> memref<1000000x64xf32, #tpu.memory_space<hbm>>
    tpu.enqueue_indirect_dma source(%dma_start3A_15 : memref<1000000x64xf32, #tpu.memory_space<hbm>>) target(%arg7 : memref<512x64xf32, #tpu.memory_space<vmem>>) offsets(%dma_start3A_12 : memref<512xi32, #tpu.memory_space<vmem>>) semaphore(%arg10 : memref<!tpu.dma_semaphore, #tpu.memory_space<semaphore_mem>>)
    %dma_start3A_16 = arith.constant 2 : i32
    %dma_start3A_17 = arith.constant 0 : i32
    %dma_start3A_18 = tpu.memref_slice %arg5[%dma_start3A_16, %dma_start3A_17] : memref<26x512xi32, #tpu.memory_space<vmem>> -> memref<1x512xi32, #tpu.memory_space<vmem>>
    %dma_start3A_19 = tpu.memref_squeeze %dma_start3A_18 : memref<1x512xi32, #tpu.memory_space<vmem>> -> memref<512xi32, #tpu.memory_space<vmem>>
    %dma_start3A_20 = arith.constant 0 : i32
    %dma_start3A_21 = arith.constant 0 : i32
    %dma_start3A_22 = tpu.memref_slice %arg2[%dma_start3A_20, %dma_start3A_21] : memref<1000000x64xf32, #tpu.memory_space<hbm>> -> memref<1000000x64xf32, #tpu.memory_space<hbm>>
    tpu.enqueue_indirect_dma source(%dma_start3A_22 : memref<1000000x64xf32, #tpu.memory_space<hbm>>) target(%arg8 : memref<512x64xf32, #tpu.memory_space<vmem>>) offsets(%dma_start3A_19 : memref<512xi32, #tpu.memory_space<vmem>>) semaphore(%arg11 : memref<!tpu.dma_semaphore, #tpu.memory_space<semaphore_mem>>)
    %dma_wait3A = arith.constant 0 : i32
    %dma_wait3A_23 = arith.constant 0 : i32
    %dma_wait3A_24 = tpu.memref_slice %arg5[%dma_wait3A, %dma_wait3A_23] : memref<26x512xi32, #tpu.memory_space<vmem>> -> memref<1x512xi32, #tpu.memory_space<vmem>>
    %dma_wait3A_25 = tpu.memref_squeeze %dma_wait3A_24 : memref<1x512xi32, #tpu.memory_space<vmem>> -> memref<512xi32, #tpu.memory_space<vmem>>
    %dma_wait3A_26 = arith.constant 0 : i32
    %dma_wait3A_27 = arith.constant 0 : i32
    %dma_wait3A_28 = tpu.memref_slice %arg2[%dma_wait3A_26, %dma_wait3A_27] : memref<1000000x64xf32, #tpu.memory_space<hbm>> -> memref<1000000x64xf32, #tpu.memory_space<hbm>>
    tpu.wait_indirect_dma semaphore(%arg9 : memref<!tpu.dma_semaphore, #tpu.memory_space<semaphore_mem>>) src(%dma_wait3A_28 : memref<1000000x64xf32, #tpu.memory_space<hbm>>) dst(%arg6 : memref<512x64xf32, #tpu.memory_space<vmem>>)
    %add3A_29 = arith.constant 0 : i32
    %add3A_30 = arith.addi %mul3A_2, %add3A_29 : i32
    %dma_start3A_31 = arith.constant 0 : i32
    %dma_start3A_32 = tpu.memref_slice %arg4[%add3A_30, %dma_start3A_31] : memref<425984x64xf32, #tpu.memory_space<hbm>> -> memref<512x64xf32, #tpu.memory_space<hbm>>
    %dma_start3A_33 = arith.constant 0 : i32
    %dma_start3A_34 = tpu.memref_slice %arg4[%add3A_30, %dma_start3A_33] : memref<425984x64xf32, #tpu.memory_space<hbm>> -> memref<512x64xf32, #tpu.memory_space<hbm>>
    tpu.enqueue_dma source(%arg6 : memref<512x64xf32, #tpu.memory_space<vmem>>) target(%dma_start3A_34 : memref<512x64xf32, #tpu.memory_space<hbm>>) target_semaphore(%arg12 : memref<!tpu.dma_semaphore, #tpu.memory_space<semaphore_mem>>)
    %dma_wait3A_35 = arith.constant 0 : i32
    %dma_wait3A_36 = tpu.memref_slice %arg4[%add3A_30, %dma_wait3A_35] : memref<425984x64xf32, #tpu.memory_space<hbm>> -> memref<512x64xf32, #tpu.memory_space<hbm>>
    %dma_wait3A_37 = arith.constant 0 : i32
    %dma_wait3A_38 = tpu.memref_slice %arg4[%add3A_30, %dma_wait3A_37] : memref<425984x64xf32, #tpu.memory_space<hbm>> -> memref<512x64xf32, #tpu.memory_space<hbm>>
    tpu.wait_dma2 semaphore(%arg12 : memref<!tpu.dma_semaphore, #tpu.memory_space<semaphore_mem>>) src(%arg6 : memref<512x64xf32, #tpu.memory_space<vmem>>) dst(%dma_wait3A_38 : memref<512x64xf32, #tpu.memory_space<hbm>>)
    %dma_start3A_39 = arith.constant 3 : i32
    %dma_start3A_40 = arith.constant 0 : i32
    %dma_start3A_41 = tpu.memref_slice %arg5[%dma_start3A_39, %dma_start3A_40] : memref<26x512xi32, #tpu.memory_space<vmem>> -> memref<1x512xi32, #tpu.memory_space<vmem>>
    %dma_start3A_42 = tpu.memref_squeeze %dma_start3A_41 : memref<1x512xi32, #tpu.memory_space<vmem>> -> memref<512xi32, #tpu.memory_space<vmem>>
    %dma_start3A_43 = arith.constant 0 : i32
    %dma_start3A_44 = arith.constant 0 : i32
    %dma_start3A_45 = tpu.memref_slice %arg2[%dma_start3A_43, %dma_start3A_44] : memref<1000000x64xf32, #tpu.memory_space<hbm>> -> memref<1000000x64xf32, #tpu.memory_space<hbm>>
    tpu.enqueue_indirect_dma source(%dma_start3A_45 : memref<1000000x64xf32, #tpu.memory_space<hbm>>) target(%arg6 : memref<512x64xf32, #tpu.memory_space<vmem>>) offsets(%dma_start3A_42 : memref<512xi32, #tpu.memory_space<vmem>>) semaphore(%arg9 : memref<!tpu.dma_semaphore, #tpu.memory_space<semaphore_mem>>)
    %dma_wait3A_46 = arith.constant 1 : i32
    %dma_wait3A_47 = arith.constant 0 : i32
    %dma_wait3A_48 = tpu.memref_slice %arg5[%dma_wait3A_46, %dma_wait3A_47] : memref<26x512xi32, #tpu.memory_space<vmem>> -> memref<1x512xi32, #tpu.memory_space<vmem>>
    %dma_wait3A_49 = tpu.memref_squeeze %dma_wait3A_48 : memref<1x512xi32, #tpu.memory_space<vmem>> -> memref<512xi32, #tpu.memory_space<vmem>>
    %dma_wait3A_50 = arith.constant 0 : i32
    %dma_wait3A_51 = arith.constant 0 : i32
    %dma_wait3A_52 = tpu.memref_slice %arg2[%dma_wait3A_50, %dma_wait3A_51] : memref<1000000x64xf32, #tpu.memory_space<hbm>> -> memref<1000000x64xf32, #tpu.memory_space<hbm>>
    tpu.wait_indirect_dma semaphore(%arg10 : memref<!tpu.dma_semaphore, #tpu.memory_space<semaphore_mem>>) src(%dma_wait3A_52 : memref<1000000x64xf32, #tpu.memory_space<hbm>>) dst(%arg7 : memref<512x64xf32, #tpu.memory_space<vmem>>)
    %add3A_53 = arith.constant 512 : i32
    %add3A_54 = arith.addi %mul3A_2, %add3A_53 : i32
    %dma_start3A_55 = arith.constant 0 : i32
    %dma_start3A_56 = tpu.memref_slice %arg4[%add3A_54, %dma_start3A_55] : memref<425984x64xf32, #tpu.memory_space<hbm>> -> memref<512x64xf32, #tpu.memory_space<hbm>>
    %dma_start3A_57 = arith.constant 0 : i32
    %dma_start3A_58 = tpu.memref_slice %arg4[%add3A_54, %dma_start3A_57] : memref<425984x64xf32, #tpu.memory_space<hbm>> -> memref<512x64xf32, #tpu.memory_space<hbm>>
    tpu.enqueue_dma source(%arg7 : memref<512x64xf32, #tpu.memory_space<vmem>>) target(%dma_start3A_58 : memref<512x64xf32, #tpu.memory_space<hbm>>) target_semaphore(%arg13 : memref<!tpu.dma_semaphore, #tpu.memory_space<semaphore_mem>>)
    %dma_wait3A_59 = arith.constant 0 : i32
    %dma_wait3A_60 = tpu.memref_slice %arg4[%add3A_54, %dma_wait3A_59] : memref<425984x64xf32, #tpu.memory_space<hbm>> -> memref<512x64xf32, #tpu.memory_space<hbm>>
    %dma_wait3A_61 = arith.constant 0 : i32
    %dma_wait3A_62 = tpu.memref_slice %arg4[%add3A_54, %dma_wait3A_61] : memref<425984x64xf32, #tpu.memory_space<hbm>> -> memref<512x64xf32, #tpu.memory_space<hbm>>
    tpu.wait_dma2 semaphore(%arg13 : memref<!tpu.dma_semaphore, #tpu.memory_space<semaphore_mem>>) src(%arg7 : memref<512x64xf32, #tpu.memory_space<vmem>>) dst(%dma_wait3A_62 : memref<512x64xf32, #tpu.memory_space<hbm>>)
    %dma_start3A_63 = arith.constant 4 : i32
    %dma_start3A_64 = arith.constant 0 : i32
    %dma_start3A_65 = tpu.memref_slice %arg5[%dma_start3A_63, %dma_start3A_64] : memref<26x512xi32, #tpu.memory_space<vmem>> -> memref<1x512xi32, #tpu.memory_space<vmem>>
    %dma_start3A_66 = tpu.memref_squeeze %dma_start3A_65 : memref<1x512xi32, #tpu.memory_space<vmem>> -> memref<512xi32, #tpu.memory_space<vmem>>
    %dma_start3A_67 = arith.constant 0 : i32
    %dma_start3A_68 = arith.constant 0 : i32
    %dma_start3A_69 = tpu.memref_slice %arg2[%dma_start3A_67, %dma_start3A_68] : memref<1000000x64xf32, #tpu.memory_space<hbm>> -> memref<1000000x64xf32, #tpu.memory_space<hbm>>
    tpu.enqueue_indirect_dma source(%dma_start3A_69 : memref<1000000x64xf32, #tpu.memory_space<hbm>>) target(%arg7 : memref<512x64xf32, #tpu.memory_space<vmem>>) offsets(%dma_start3A_66 : memref<512xi32, #tpu.memory_space<vmem>>) semaphore(%arg10 : memref<!tpu.dma_semaphore, #tpu.memory_space<semaphore_mem>>)
    %dma_wait3A_70 = arith.constant 2 : i32
    %dma_wait3A_71 = arith.constant 0 : i32
    %dma_wait3A_72 = tpu.memref_slice %arg5[%dma_wait3A_70, %dma_wait3A_71] : memref<26x512xi32, #tpu.memory_space<vmem>> -> memref<1x512xi32, #tpu.memory_space<vmem>>
    %dma_wait3A_73 = tpu.memref_squeeze %dma_wait3A_72 : memref<1x512xi32, #tpu.memory_space<vmem>> -> memref<512xi32, #tpu.memory_space<vmem>>
    %dma_wait3A_74 = arith.constant 0 : i32
    %dma_wait3A_75 = arith.constant 0 : i32
    %dma_wait3A_76 = tpu.memref_slice %arg2[%dma_wait3A_74, %dma_wait3A_75] : memref<1000000x64xf32, #tpu.memory_space<hbm>> -> memref<1000000x64xf32, #tpu.memory_space<hbm>>
    tpu.wait_indirect_dma semaphore(%arg11 : memref<!tpu.dma_semaphore, #tpu.memory_space<semaphore_mem>>) src(%dma_wait3A_76 : memref<1000000x64xf32, #tpu.memory_space<hbm>>) dst(%arg8 : memref<512x64xf32, #tpu.memory_space<vmem>>)
    %add3A_77 = arith.constant 1024 : i32
    %add3A_78 = arith.addi %mul3A_2, %add3A_77 : i32
    %dma_start3A_79 = arith.constant 0 : i32
    %dma_start3A_80 = tpu.memref_slice %arg4[%add3A_78, %dma_start3A_79] : memref<425984x64xf32, #tpu.memory_space<hbm>> -> memref<512x64xf32, #tpu.memory_space<hbm>>
    %dma_start3A_81 = arith.constant 0 : i32
    %dma_start3A_82 = tpu.memref_slice %arg4[%add3A_78, %dma_start3A_81] : memref<425984x64xf32, #tpu.memory_space<hbm>> -> memref<512x64xf32, #tpu.memory_space<hbm>>
    tpu.enqueue_dma source(%arg8 : memref<512x64xf32, #tpu.memory_space<vmem>>) target(%dma_start3A_82 : memref<512x64xf32, #tpu.memory_space<hbm>>) target_semaphore(%arg14 : memref<!tpu.dma_semaphore, #tpu.memory_space<semaphore_mem>>)
    %dma_wait3A_83 = arith.constant 0 : i32
    %dma_wait3A_84 = tpu.memref_slice %arg4[%add3A_78, %dma_wait3A_83] : memref<425984x64xf32, #tpu.memory_space<hbm>> -> memref<512x64xf32, #tpu.memory_space<hbm>>
    %dma_wait3A_85 = arith.constant 0 : i32
    %dma_wait3A_86 = tpu.memref_slice %arg4[%add3A_78, %dma_wait3A_85] : memref<425984x64xf32, #tpu.memory_space<hbm>> -> memref<512x64xf32, #tpu.memory_space<hbm>>
    tpu.wait_dma2 semaphore(%arg14 : memref<!tpu.dma_semaphore, #tpu.memory_space<semaphore_mem>>) src(%arg8 : memref<512x64xf32, #tpu.memory_space<vmem>>) dst(%dma_wait3A_86 : memref<512x64xf32, #tpu.memory_space<hbm>>)
    %dma_start3A_87 = arith.constant 5 : i32
    %dma_start3A_88 = arith.constant 0 : i32
    %dma_start3A_89 = tpu.memref_slice %arg5[%dma_start3A_87, %dma_start3A_88] : memref<26x512xi32, #tpu.memory_space<vmem>> -> memref<1x512xi32, #tpu.memory_space<vmem>>
    %dma_start3A_90 = tpu.memref_squeeze %dma_start3A_89 : memref<1x512xi32, #tpu.memory_space<vmem>> -> memref<512xi32, #tpu.memory_space<vmem>>
    %dma_start3A_91 = arith.constant 0 : i32
    %dma_start3A_92 = arith.constant 0 : i32
    %dma_start3A_93 = tpu.memref_slice %arg2[%dma_start3A_91, %dma_start3A_92] : memref<1000000x64xf32, #tpu.memory_space<hbm>> -> memref<1000000x64xf32, #tpu.memory_space<hbm>>
    tpu.enqueue_indirect_dma source(%dma_start3A_93 : memref<1000000x64xf32, #tpu.memory_space<hbm>>) target(%arg8 : memref<512x64xf32, #tpu.memory_space<vmem>>) offsets(%dma_start3A_90 : memref<512xi32, #tpu.memory_space<vmem>>) semaphore(%arg11 : memref<!tpu.dma_semaphore, #tpu.memory_space<semaphore_mem>>)
    %dma_wait3A_94 = arith.constant 3 : i32
    %dma_wait3A_95 = arith.constant 0 : i32
    %dma_wait3A_96 = tpu.memref_slice %arg5[%dma_wait3A_94, %dma_wait3A_95] : memref<26x512xi32, #tpu.memory_space<vmem>> -> memref<1x512xi32, #tpu.memory_space<vmem>>
    %dma_wait3A_97 = tpu.memref_squeeze %dma_wait3A_96 : memref<1x512xi32, #tpu.memory_space<vmem>> -> memref<512xi32, #tpu.memory_space<vmem>>
    %dma_wait3A_98 = arith.constant 0 : i32
    %dma_wait3A_99 = arith.constant 0 : i32
    %dma_wait3A_100 = tpu.memref_slice %arg2[%dma_wait3A_98, %dma_wait3A_99] : memref<1000000x64xf32, #tpu.memory_space<hbm>> -> memref<1000000x64xf32, #tpu.memory_space<hbm>>
    tpu.wait_indirect_dma semaphore(%arg9 : memref<!tpu.dma_semaphore, #tpu.memory_space<semaphore_mem>>) src(%dma_wait3A_100 : memref<1000000x64xf32, #tpu.memory_space<hbm>>) dst(%arg6 : memref<512x64xf32, #tpu.memory_space<vmem>>)
    %add3A_101 = arith.constant 1536 : i32
    %add3A_102 = arith.addi %mul3A_2, %add3A_101 : i32
    %dma_start3A_103 = arith.constant 0 : i32
    %dma_start3A_104 = tpu.memref_slice %arg4[%add3A_102, %dma_start3A_103] : memref<425984x64xf32, #tpu.memory_space<hbm>> -> memref<512x64xf32, #tpu.memory_space<hbm>>
    %dma_start3A_105 = arith.constant 0 : i32
    %dma_start3A_106 = tpu.memref_slice %arg4[%add3A_102, %dma_start3A_105] : memref<425984x64xf32, #tpu.memory_space<hbm>> -> memref<512x64xf32, #tpu.memory_space<hbm>>
    tpu.enqueue_dma source(%arg6 : memref<512x64xf32, #tpu.memory_space<vmem>>) target(%dma_start3A_106 : memref<512x64xf32, #tpu.memory_space<hbm>>) target_semaphore(%arg12 : memref<!tpu.dma_semaphore, #tpu.memory_space<semaphore_mem>>)
    %dma_wait3A_107 = arith.constant 0 : i32
    %dma_wait3A_108 = tpu.memref_slice %arg4[%add3A_102, %dma_wait3A_107] : memref<425984x64xf32, #tpu.memory_space<hbm>> -> memref<512x64xf32, #tpu.memory_space<hbm>>
    %dma_wait3A_109 = arith.constant 0 : i32
    %dma_wait3A_110 = tpu.memref_slice %arg4[%add3A_102, %dma_wait3A_109] : memref<425984x64xf32, #tpu.memory_space<hbm>> -> memref<512x64xf32, #tpu.memory_space<hbm>>
    tpu.wait_dma2 semaphore(%arg12 : memref<!tpu.dma_semaphore, #tpu.memory_space<semaphore_mem>>) src(%arg6 : memref<512x64xf32, #tpu.memory_space<vmem>>) dst(%dma_wait3A_110 : memref<512x64xf32, #tpu.memory_space<hbm>>)
    %dma_start3A_111 = arith.constant 6 : i32
    %dma_start3A_112 = arith.constant 0 : i32
    %dma_start3A_113 = tpu.memref_slice %arg5[%dma_start3A_111, %dma_start3A_112] : memref<26x512xi32, #tpu.memory_space<vmem>> -> memref<1x512xi32, #tpu.memory_space<vmem>>
    %dma_start3A_114 = tpu.memref_squeeze %dma_start3A_113 : memref<1x512xi32, #tpu.memory_space<vmem>> -> memref<512xi32, #tpu.memory_space<vmem>>
    %dma_start3A_115 = arith.constant 0 : i32
    %dma_start3A_116 = arith.constant 0 : i32
    %dma_start3A_117 = tpu.memref_slice %arg2[%dma_start3A_115, %dma_start3A_116] : memref<1000000x64xf32, #tpu.memory_space<hbm>> -> memref<1000000x64xf32, #tpu.memory_space<hbm>>
    tpu.enqueue_indirect_dma source(%dma_start3A_117 : memref<1000000x64xf32, #tpu.memory_space<hbm>>) target(%arg6 : memref<512x64xf32, #tpu.memory_space<vmem>>) offsets(%dma_start3A_114 : memref<512xi32, #tpu.memory_space<vmem>>) semaphore(%arg9 : memref<!tpu.dma_semaphore, #tpu.memory_space<semaphore_mem>>)
    %dma_wait3A_118 = arith.constant 4 : i32
    %dma_wait3A_119 = arith.constant 0 : i32
    %dma_wait3A_120 = tpu.memref_slice %arg5[%dma_wait3A_118, %dma_wait3A_119] : memref<26x512xi32, #tpu.memory_space<vmem>> -> memref<1x512xi32, #tpu.memory_space<vmem>>
    %dma_wait3A_121 = tpu.memref_squeeze %dma_wait3A_120 : memref<1x512xi32, #tpu.memory_space<vmem>> -> memref<512xi32, #tpu.memory_space<vmem>>
    %dma_wait3A_122 = arith.constant 0 : i32
    %dma_wait3A_123 = arith.constant 0 : i32
    %dma_wait3A_124 = tpu.memref_slice %arg2[%dma_wait3A_122, %dma_wait3A_123] : memref<1000000x64xf32, #tpu.memory_space<hbm>> -> memref<1000000x64xf32, #tpu.memory_space<hbm>>
    tpu.wait_indirect_dma semaphore(%arg10 : memref<!tpu.dma_semaphore, #tpu.memory_space<semaphore_mem>>) src(%dma_wait3A_124 : memref<1000000x64xf32, #tpu.memory_space<hbm>>) dst(%arg7 : memref<512x64xf32, #tpu.memory_space<vmem>>)
    %add3A_125 = arith.constant 2048 : i32
    %add3A_126 = arith.addi %mul3A_2, %add3A_125 : i32
    %dma_start3A_127 = arith.constant 0 : i32
    %dma_start3A_128 = tpu.memref_slice %arg4[%add3A_126, %dma_start3A_127] : memref<425984x64xf32, #tpu.memory_space<hbm>> -> memref<512x64xf32, #tpu.memory_space<hbm>>
    %dma_start3A_129 = arith.constant 0 : i32
    %dma_start3A_130 = tpu.memref_slice %arg4[%add3A_126, %dma_start3A_129] : memref<425984x64xf32, #tpu.memory_space<hbm>> -> memref<512x64xf32, #tpu.memory_space<hbm>>
    tpu.enqueue_dma source(%arg7 : memref<512x64xf32, #tpu.memory_space<vmem>>) target(%dma_start3A_130 : memref<512x64xf32, #tpu.memory_space<hbm>>) target_semaphore(%arg13 : memref<!tpu.dma_semaphore, #tpu.memory_space<semaphore_mem>>)
    %dma_wait3A_131 = arith.constant 0 : i32
    %dma_wait3A_132 = tpu.memref_slice %arg4[%add3A_126, %dma_wait3A_131] : memref<425984x64xf32, #tpu.memory_space<hbm>> -> memref<512x64xf32, #tpu.memory_space<hbm>>
    %dma_wait3A_133 = arith.constant 0 : i32
    %dma_wait3A_134 = tpu.memref_slice %arg4[%add3A_126, %dma_wait3A_133] : memref<425984x64xf32, #tpu.memory_space<hbm>> -> memref<512x64xf32, #tpu.memory_space<hbm>>
    tpu.wait_dma2 semaphore(%arg13 : memref<!tpu.dma_semaphore, #tpu.memory_space<semaphore_mem>>) src(%arg7 : memref<512x64xf32, #tpu.memory_space<vmem>>) dst(%dma_wait3A_134 : memref<512x64xf32, #tpu.memory_space<hbm>>)
    %dma_start3A_135 = arith.constant 7 : i32
    %dma_start3A_136 = arith.constant 0 : i32
    %dma_start3A_137 = tpu.memref_slice %arg5[%dma_start3A_135, %dma_start3A_136] : memref<26x512xi32, #tpu.memory_space<vmem>> -> memref<1x512xi32, #tpu.memory_space<vmem>>
    %dma_start3A_138 = tpu.memref_squeeze %dma_start3A_137 : memref<1x512xi32, #tpu.memory_space<vmem>> -> memref<512xi32, #tpu.memory_space<vmem>>
    %dma_start3A_139 = arith.constant 0 : i32
    %dma_start3A_140 = arith.constant 0 : i32
    %dma_start3A_141 = tpu.memref_slice %arg2[%dma_start3A_139, %dma_start3A_140] : memref<1000000x64xf32, #tpu.memory_space<hbm>> -> memref<1000000x64xf32, #tpu.memory_space<hbm>>
    tpu.enqueue_indirect_dma source(%dma_start3A_141 : memref<1000000x64xf32, #tpu.memory_space<hbm>>) target(%arg7 : memref<512x64xf32, #tpu.memory_space<vmem>>) offsets(%dma_start3A_138 : memref<512xi32, #tpu.memory_space<vmem>>) semaphore(%arg10 : memref<!tpu.dma_semaphore, #tpu.memory_space<semaphore_mem>>)
    %dma_wait3A_142 = arith.constant 5 : i32
    %dma_wait3A_143 = arith.constant 0 : i32
    %dma_wait3A_144 = tpu.memref_slice %arg5[%dma_wait3A_142, %dma_wait3A_143] : memref<26x512xi32, #tpu.memory_space<vmem>> -> memref<1x512xi32, #tpu.memory_space<vmem>>
    %dma_wait3A_145 = tpu.memref_squeeze %dma_wait3A_144 : memref<1x512xi32, #tpu.memory_space<vmem>> -> memref<512xi32, #tpu.memory_space<vmem>>
    %dma_wait3A_146 = arith.constant 0 : i32
    %dma_wait3A_147 = arith.constant 0 : i32
    %dma_wait3A_148 = tpu.memref_slice %arg2[%dma_wait3A_146, %dma_wait3A_147] : memref<1000000x64xf32, #tpu.memory_space<hbm>> -> memref<1000000x64xf32, #tpu.memory_space<hbm>>
    tpu.wait_indirect_dma semaphore(%arg11 : memref<!tpu.dma_semaphore, #tpu.memory_space<semaphore_mem>>) src(%dma_wait3A_148 : memref<1000000x64xf32, #tpu.memory_space<hbm>>) dst(%arg8 : memref<512x64xf32, #tpu.memory_space<vmem>>)
    %add3A_149 = arith.constant 2560 : i32
    %add3A_150 = arith.addi %mul3A_2, %add3A_149 : i32
    %dma_start3A_151 = arith.constant 0 : i32
    %dma_start3A_152 = tpu.memref_slice %arg4[%add3A_150, %dma_start3A_151] : memref<425984x64xf32, #tpu.memory_space<hbm>> -> memref<512x64xf32, #tpu.memory_space<hbm>>
    %dma_start3A_153 = arith.constant 0 : i32
    %dma_start3A_154 = tpu.memref_slice %arg4[%add3A_150, %dma_start3A_153] : memref<425984x64xf32, #tpu.memory_space<hbm>> -> memref<512x64xf32, #tpu.memory_space<hbm>>
    tpu.enqueue_dma source(%arg8 : memref<512x64xf32, #tpu.memory_space<vmem>>) target(%dma_start3A_154 : memref<512x64xf32, #tpu.memory_space<hbm>>) target_semaphore(%arg14 : memref<!tpu.dma_semaphore, #tpu.memory_space<semaphore_mem>>)
    %dma_wait3A_155 = arith.constant 0 : i32
    %dma_wait3A_156 = tpu.memref_slice %arg4[%add3A_150, %dma_wait3A_155] : memref<425984x64xf32, #tpu.memory_space<hbm>> -> memref<512x64xf32, #tpu.memory_space<hbm>>
    %dma_wait3A_157 = arith.constant 0 : i32
    %dma_wait3A_158 = tpu.memref_slice %arg4[%add3A_150, %dma_wait3A_157] : memref<425984x64xf32, #tpu.memory_space<hbm>> -> memref<512x64xf32, #tpu.memory_space<hbm>>
    tpu.wait_dma2 semaphore(%arg14 : memref<!tpu.dma_semaphore, #tpu.memory_space<semaphore_mem>>) src(%arg8 : memref<512x64xf32, #tpu.memory_space<vmem>>) dst(%dma_wait3A_158 : memref<512x64xf32, #tpu.memory_space<hbm>>)
    %dma_start3A_159 = arith.constant 8 : i32
    %dma_start3A_160 = arith.constant 0 : i32
    %dma_start3A_161 = tpu.memref_slice %arg5[%dma_start3A_159, %dma_start3A_160] : memref<26x512xi32, #tpu.memory_space<vmem>> -> memref<1x512xi32, #tpu.memory_space<vmem>>
    %dma_start3A_162 = tpu.memref_squeeze %dma_start3A_161 : memref<1x512xi32, #tpu.memory_space<vmem>> -> memref<512xi32, #tpu.memory_space<vmem>>
    %dma_start3A_163 = arith.constant 0 : i32
    %dma_start3A_164 = arith.constant 0 : i32
    %dma_start3A_165 = tpu.memref_slice %arg2[%dma_start3A_163, %dma_start3A_164] : memref<1000000x64xf32, #tpu.memory_space<hbm>> -> memref<1000000x64xf32, #tpu.memory_space<hbm>>
    tpu.enqueue_indirect_dma source(%dma_start3A_165 : memref<1000000x64xf32, #tpu.memory_space<hbm>>) target(%arg8 : memref<512x64xf32, #tpu.memory_space<vmem>>) offsets(%dma_start3A_162 : memref<512xi32, #tpu.memory_space<vmem>>) semaphore(%arg11 : memref<!tpu.dma_semaphore, #tpu.memory_space<semaphore_mem>>)
    %dma_wait3A_166 = arith.constant 6 : i32
    %dma_wait3A_167 = arith.constant 0 : i32
    %dma_wait3A_168 = tpu.memref_slice %arg5[%dma_wait3A_166, %dma_wait3A_167] : memref<26x512xi32, #tpu.memory_space<vmem>> -> memref<1x512xi32, #tpu.memory_space<vmem>>
    %dma_wait3A_169 = tpu.memref_squeeze %dma_wait3A_168 : memref<1x512xi32, #tpu.memory_space<vmem>> -> memref<512xi32, #tpu.memory_space<vmem>>
    %dma_wait3A_170 = arith.constant 0 : i32
    %dma_wait3A_171 = arith.constant 0 : i32
    %dma_wait3A_172 = tpu.memref_slice %arg2[%dma_wait3A_170, %dma_wait3A_171] : memref<1000000x64xf32, #tpu.memory_space<hbm>> -> memref<1000000x64xf32, #tpu.memory_space<hbm>>
    tpu.wait_indirect_dma semaphore(%arg9 : memref<!tpu.dma_semaphore, #tpu.memory_space<semaphore_mem>>) src(%dma_wait3A_172 : memref<1000000x64xf32, #tpu.memory_space<hbm>>) dst(%arg6 : memref<512x64xf32, #tpu.memory_space<vmem>>)
    %add3A_173 = arith.constant 3072 : i32
    %add3A_174 = arith.addi %mul3A_2, %add3A_173 : i32
    %dma_start3A_175 = arith.constant 0 : i32
    %dma_start3A_176 = tpu.memref_slice %arg4[%add3A_174, %dma_start3A_175] : memref<425984x64xf32, #tpu.memory_space<hbm>> -> memref<512x64xf32, #tpu.memory_space<hbm>>
    %dma_start3A_177 = arith.constant 0 : i32
    %dma_start3A_178 = tpu.memref_slice %arg4[%add3A_174, %dma_start3A_177] : memref<425984x64xf32, #tpu.memory_space<hbm>> -> memref<512x64xf32, #tpu.memory_space<hbm>>
    tpu.enqueue_dma source(%arg6 : memref<512x64xf32, #tpu.memory_space<vmem>>) target(%dma_start3A_178 : memref<512x64xf32, #tpu.memory_space<hbm>>) target_semaphore(%arg12 : memref<!tpu.dma_semaphore, #tpu.memory_space<semaphore_mem>>)
    %dma_wait3A_179 = arith.constant 0 : i32
    %dma_wait3A_180 = tpu.memref_slice %arg4[%add3A_174, %dma_wait3A_179] : memref<425984x64xf32, #tpu.memory_space<hbm>> -> memref<512x64xf32, #tpu.memory_space<hbm>>
    %dma_wait3A_181 = arith.constant 0 : i32
    %dma_wait3A_182 = tpu.memref_slice %arg4[%add3A_174, %dma_wait3A_181] : memref<425984x64xf32, #tpu.memory_space<hbm>> -> memref<512x64xf32, #tpu.memory_space<hbm>>
    tpu.wait_dma2 semaphore(%arg12 : memref<!tpu.dma_semaphore, #tpu.memory_space<semaphore_mem>>) src(%arg6 : memref<512x64xf32, #tpu.memory_space<vmem>>) dst(%dma_wait3A_182 : memref<512x64xf32, #tpu.memory_space<hbm>>)
    %dma_start3A_183 = arith.constant 9 : i32
    %dma_start3A_184 = arith.constant 0 : i32
    %dma_start3A_185 = tpu.memref_slice %arg5[%dma_start3A_183, %dma_start3A_184] : memref<26x512xi32, #tpu.memory_space<vmem>> -> memref<1x512xi32, #tpu.memory_space<vmem>>
    %dma_start3A_186 = tpu.memref_squeeze %dma_start3A_185 : memref<1x512xi32, #tpu.memory_space<vmem>> -> memref<512xi32, #tpu.memory_space<vmem>>
    %dma_start3A_187 = arith.constant 0 : i32
    %dma_start3A_188 = arith.constant 0 : i32
    %dma_start3A_189 = tpu.memref_slice %arg2[%dma_start3A_187, %dma_start3A_188] : memref<1000000x64xf32, #tpu.memory_space<hbm>> -> memref<1000000x64xf32, #tpu.memory_space<hbm>>
    tpu.enqueue_indirect_dma source(%dma_start3A_189 : memref<1000000x64xf32, #tpu.memory_space<hbm>>) target(%arg6 : memref<512x64xf32, #tpu.memory_space<vmem>>) offsets(%dma_start3A_186 : memref<512xi32, #tpu.memory_space<vmem>>) semaphore(%arg9 : memref<!tpu.dma_semaphore, #tpu.memory_space<semaphore_mem>>)
    %dma_wait3A_190 = arith.constant 7 : i32
    %dma_wait3A_191 = arith.constant 0 : i32
    %dma_wait3A_192 = tpu.memref_slice %arg5[%dma_wait3A_190, %dma_wait3A_191] : memref<26x512xi32, #tpu.memory_space<vmem>> -> memref<1x512xi32, #tpu.memory_space<vmem>>
    %dma_wait3A_193 = tpu.memref_squeeze %dma_wait3A_192 : memref<1x512xi32, #tpu.memory_space<vmem>> -> memref<512xi32, #tpu.memory_space<vmem>>
    %dma_wait3A_194 = arith.constant 0 : i32
    %dma_wait3A_195 = arith.constant 0 : i32
    %dma_wait3A_196 = tpu.memref_slice %arg2[%dma_wait3A_194, %dma_wait3A_195] : memref<1000000x64xf32, #tpu.memory_space<hbm>> -> memref<1000000x64xf32, #tpu.memory_space<hbm>>
    tpu.wait_indirect_dma semaphore(%arg10 : memref<!tpu.dma_semaphore, #tpu.memory_space<semaphore_mem>>) src(%dma_wait3A_196 : memref<1000000x64xf32, #tpu.memory_space<hbm>>) dst(%arg7 : memref<512x64xf32, #tpu.memory_space<vmem>>)
    %add3A_197 = arith.constant 3584 : i32
    %add3A_198 = arith.addi %mul3A_2, %add3A_197 : i32
    %dma_start3A_199 = arith.constant 0 : i32
    %dma_start3A_200 = tpu.memref_slice %arg4[%add3A_198, %dma_start3A_199] : memref<425984x64xf32, #tpu.memory_space<hbm>> -> memref<512x64xf32, #tpu.memory_space<hbm>>
    %dma_start3A_201 = arith.constant 0 : i32
    %dma_start3A_202 = tpu.memref_slice %arg4[%add3A_198, %dma_start3A_201] : memref<425984x64xf32, #tpu.memory_space<hbm>> -> memref<512x64xf32, #tpu.memory_space<hbm>>
    tpu.enqueue_dma source(%arg7 : memref<512x64xf32, #tpu.memory_space<vmem>>) target(%dma_start3A_202 : memref<512x64xf32, #tpu.memory_space<hbm>>) target_semaphore(%arg13 : memref<!tpu.dma_semaphore, #tpu.memory_space<semaphore_mem>>)
    %dma_wait3A_203 = arith.constant 0 : i32
    %dma_wait3A_204 = tpu.memref_slice %arg4[%add3A_198, %dma_wait3A_203] : memref<425984x64xf32, #tpu.memory_space<hbm>> -> memref<512x64xf32, #tpu.memory_space<hbm>>
    %dma_wait3A_205 = arith.constant 0 : i32
    %dma_wait3A_206 = tpu.memref_slice %arg4[%add3A_198, %dma_wait3A_205] : memref<425984x64xf32, #tpu.memory_space<hbm>> -> memref<512x64xf32, #tpu.memory_space<hbm>>
    tpu.wait_dma2 semaphore(%arg13 : memref<!tpu.dma_semaphore, #tpu.memory_space<semaphore_mem>>) src(%arg7 : memref<512x64xf32, #tpu.memory_space<vmem>>) dst(%dma_wait3A_206 : memref<512x64xf32, #tpu.memory_space<hbm>>)
    %dma_start3A_207 = arith.constant 10 : i32
    %dma_start3A_208 = arith.constant 0 : i32
    %dma_start3A_209 = tpu.memref_slice %arg5[%dma_start3A_207, %dma_start3A_208] : memref<26x512xi32, #tpu.memory_space<vmem>> -> memref<1x512xi32, #tpu.memory_space<vmem>>
    %dma_start3A_210 = tpu.memref_squeeze %dma_start3A_209 : memref<1x512xi32, #tpu.memory_space<vmem>> -> memref<512xi32, #tpu.memory_space<vmem>>
    %dma_start3A_211 = arith.constant 0 : i32
    %dma_start3A_212 = arith.constant 0 : i32
    %dma_start3A_213 = tpu.memref_slice %arg2[%dma_start3A_211, %dma_start3A_212] : memref<1000000x64xf32, #tpu.memory_space<hbm>> -> memref<1000000x64xf32, #tpu.memory_space<hbm>>
    tpu.enqueue_indirect_dma source(%dma_start3A_213 : memref<1000000x64xf32, #tpu.memory_space<hbm>>) target(%arg7 : memref<512x64xf32, #tpu.memory_space<vmem>>) offsets(%dma_start3A_210 : memref<512xi32, #tpu.memory_space<vmem>>) semaphore(%arg10 : memref<!tpu.dma_semaphore, #tpu.memory_space<semaphore_mem>>)
    %dma_wait3A_214 = arith.constant 8 : i32
    %dma_wait3A_215 = arith.constant 0 : i32
    %dma_wait3A_216 = tpu.memref_slice %arg5[%dma_wait3A_214, %dma_wait3A_215] : memref<26x512xi32, #tpu.memory_space<vmem>> -> memref<1x512xi32, #tpu.memory_space<vmem>>
    %dma_wait3A_217 = tpu.memref_squeeze %dma_wait3A_216 : memref<1x512xi32, #tpu.memory_space<vmem>> -> memref<512xi32, #tpu.memory_space<vmem>>
    %dma_wait3A_218 = arith.constant 0 : i32
    %dma_wait3A_219 = arith.constant 0 : i32
    %dma_wait3A_220 = tpu.memref_slice %arg2[%dma_wait3A_218, %dma_wait3A_219] : memref<1000000x64xf32, #tpu.memory_space<hbm>> -> memref<1000000x64xf32, #tpu.memory_space<hbm>>
    tpu.wait_indirect_dma semaphore(%arg11 : memref<!tpu.dma_semaphore, #tpu.memory_space<semaphore_mem>>) src(%dma_wait3A_220 : memref<1000000x64xf32, #tpu.memory_space<hbm>>) dst(%arg8 : memref<512x64xf32, #tpu.memory_space<vmem>>)
    %add3A_221 = arith.constant 4096 : i32
    %add3A_222 = arith.addi %mul3A_2, %add3A_221 : i32
    %dma_start3A_223 = arith.constant 0 : i32
    %dma_start3A_224 = tpu.memref_slice %arg4[%add3A_222, %dma_start3A_223] : memref<425984x64xf32, #tpu.memory_space<hbm>> -> memref<512x64xf32, #tpu.memory_space<hbm>>
    %dma_start3A_225 = arith.constant 0 : i32
    %dma_start3A_226 = tpu.memref_slice %arg4[%add3A_222, %dma_start3A_225] : memref<425984x64xf32, #tpu.memory_space<hbm>> -> memref<512x64xf32, #tpu.memory_space<hbm>>
    tpu.enqueue_dma source(%arg8 : memref<512x64xf32, #tpu.memory_space<vmem>>) target(%dma_start3A_226 : memref<512x64xf32, #tpu.memory_space<hbm>>) target_semaphore(%arg14 : memref<!tpu.dma_semaphore, #tpu.memory_space<semaphore_mem>>)
    %dma_wait3A_227 = arith.constant 0 : i32
    %dma_wait3A_228 = tpu.memref_slice %arg4[%add3A_222, %dma_wait3A_227] : memref<425984x64xf32, #tpu.memory_space<hbm>> -> memref<512x64xf32, #tpu.memory_space<hbm>>
    %dma_wait3A_229 = arith.constant 0 : i32
    %dma_wait3A_230 = tpu.memref_slice %arg4[%add3A_222, %dma_wait3A_229] : memref<425984x64xf32, #tpu.memory_space<hbm>> -> memref<512x64xf32, #tpu.memory_space<hbm>>
    tpu.wait_dma2 semaphore(%arg14 : memref<!tpu.dma_semaphore, #tpu.memory_space<semaphore_mem>>) src(%arg8 : memref<512x64xf32, #tpu.memory_space<vmem>>) dst(%dma_wait3A_230 : memref<512x64xf32, #tpu.memory_space<hbm>>)
    %dma_start3A_231 = arith.constant 11 : i32
    %dma_start3A_232 = arith.constant 0 : i32
    %dma_start3A_233 = tpu.memref_slice %arg5[%dma_start3A_231, %dma_start3A_232] : memref<26x512xi32, #tpu.memory_space<vmem>> -> memref<1x512xi32, #tpu.memory_space<vmem>>
    %dma_start3A_234 = tpu.memref_squeeze %dma_start3A_233 : memref<1x512xi32, #tpu.memory_space<vmem>> -> memref<512xi32, #tpu.memory_space<vmem>>
    %dma_start3A_235 = arith.constant 0 : i32
    %dma_start3A_236 = arith.constant 0 : i32
    %dma_start3A_237 = tpu.memref_slice %arg2[%dma_start3A_235, %dma_start3A_236] : memref<1000000x64xf32, #tpu.memory_space<hbm>> -> memref<1000000x64xf32, #tpu.memory_space<hbm>>
    tpu.enqueue_indirect_dma source(%dma_start3A_237 : memref<1000000x64xf32, #tpu.memory_space<hbm>>) target(%arg8 : memref<512x64xf32, #tpu.memory_space<vmem>>) offsets(%dma_start3A_234 : memref<512xi32, #tpu.memory_space<vmem>>) semaphore(%arg11 : memref<!tpu.dma_semaphore, #tpu.memory_space<semaphore_mem>>)
    %dma_wait3A_238 = arith.constant 9 : i32
    %dma_wait3A_239 = arith.constant 0 : i32
    %dma_wait3A_240 = tpu.memref_slice %arg5[%dma_wait3A_238, %dma_wait3A_239] : memref<26x512xi32, #tpu.memory_space<vmem>> -> memref<1x512xi32, #tpu.memory_space<vmem>>
    %dma_wait3A_241 = tpu.memref_squeeze %dma_wait3A_240 : memref<1x512xi32, #tpu.memory_space<vmem>> -> memref<512xi32, #tpu.memory_space<vmem>>
    %dma_wait3A_242 = arith.constant 0 : i32
    %dma_wait3A_243 = arith.constant 0 : i32
    %dma_wait3A_244 = tpu.memref_slice %arg2[%dma_wait3A_242, %dma_wait3A_243] : memref<1000000x64xf32, #tpu.memory_space<hbm>> -> memref<1000000x64xf32, #tpu.memory_space<hbm>>
    tpu.wait_indirect_dma semaphore(%arg9 : memref<!tpu.dma_semaphore, #tpu.memory_space<semaphore_mem>>) src(%dma_wait3A_244 : memref<1000000x64xf32, #tpu.memory_space<hbm>>) dst(%arg6 : memref<512x64xf32, #tpu.memory_space<vmem>>)
    %add3A_245 = arith.constant 4608 : i32
    %add3A_246 = arith.addi %mul3A_2, %add3A_245 : i32
    %dma_start3A_247 = arith.constant 0 : i32
    %dma_start3A_248 = tpu.memref_slice %arg4[%add3A_246, %dma_start3A_247] : memref<425984x64xf32, #tpu.memory_space<hbm>> -> memref<512x64xf32, #tpu.memory_space<hbm>>
    %dma_start3A_249 = arith.constant 0 : i32
    %dma_start3A_250 = tpu.memref_slice %arg4[%add3A_246, %dma_start3A_249] : memref<425984x64xf32, #tpu.memory_space<hbm>> -> memref<512x64xf32, #tpu.memory_space<hbm>>
    tpu.enqueue_dma source(%arg6 : memref<512x64xf32, #tpu.memory_space<vmem>>) target(%dma_start3A_250 : memref<512x64xf32, #tpu.memory_space<hbm>>) target_semaphore(%arg12 : memref<!tpu.dma_semaphore, #tpu.memory_space<semaphore_mem>>)
    %dma_wait3A_251 = arith.constant 0 : i32
    %dma_wait3A_252 = tpu.memref_slice %arg4[%add3A_246, %dma_wait3A_251] : memref<425984x64xf32, #tpu.memory_space<hbm>> -> memref<512x64xf32, #tpu.memory_space<hbm>>
    %dma_wait3A_253 = arith.constant 0 : i32
    %dma_wait3A_254 = tpu.memref_slice %arg4[%add3A_246, %dma_wait3A_253] : memref<425984x64xf32, #tpu.memory_space<hbm>> -> memref<512x64xf32, #tpu.memory_space<hbm>>
    tpu.wait_dma2 semaphore(%arg12 : memref<!tpu.dma_semaphore, #tpu.memory_space<semaphore_mem>>) src(%arg6 : memref<512x64xf32, #tpu.memory_space<vmem>>) dst(%dma_wait3A_254 : memref<512x64xf32, #tpu.memory_space<hbm>>)
    %dma_start3A_255 = arith.constant 12 : i32
    %dma_start3A_256 = arith.constant 0 : i32
    %dma_start3A_257 = tpu.memref_slice %arg5[%dma_start3A_255, %dma_start3A_256] : memref<26x512xi32, #tpu.memory_space<vmem>> -> memref<1x512xi32, #tpu.memory_space<vmem>>
    %dma_start3A_258 = tpu.memref_squeeze %dma_start3A_257 : memref<1x512xi32, #tpu.memory_space<vmem>> -> memref<512xi32, #tpu.memory_space<vmem>>
    %dma_start3A_259 = arith.constant 0 : i32
    %dma_start3A_260 = arith.constant 0 : i32
    %dma_start3A_261 = tpu.memref_slice %arg2[%dma_start3A_259, %dma_start3A_260] : memref<1000000x64xf32, #tpu.memory_space<hbm>> -> memref<1000000x64xf32, #tpu.memory_space<hbm>>
    tpu.enqueue_indirect_dma source(%dma_start3A_261 : memref<1000000x64xf32, #tpu.memory_space<hbm>>) target(%arg6 : memref<512x64xf32, #tpu.memory_space<vmem>>) offsets(%dma_start3A_258 : memref<512xi32, #tpu.memory_space<vmem>>) semaphore(%arg9 : memref<!tpu.dma_semaphore, #tpu.memory_space<semaphore_mem>>)
    %dma_wait3A_262 = arith.constant 10 : i32
    %dma_wait3A_263 = arith.constant 0 : i32
    %dma_wait3A_264 = tpu.memref_slice %arg5[%dma_wait3A_262, %dma_wait3A_263] : memref<26x512xi32, #tpu.memory_space<vmem>> -> memref<1x512xi32, #tpu.memory_space<vmem>>
    %dma_wait3A_265 = tpu.memref_squeeze %dma_wait3A_264 : memref<1x512xi32, #tpu.memory_space<vmem>> -> memref<512xi32, #tpu.memory_space<vmem>>
    %dma_wait3A_266 = arith.constant 0 : i32
    %dma_wait3A_267 = arith.constant 0 : i32
    %dma_wait3A_268 = tpu.memref_slice %arg2[%dma_wait3A_266, %dma_wait3A_267] : memref<1000000x64xf32, #tpu.memory_space<hbm>> -> memref<1000000x64xf32, #tpu.memory_space<hbm>>
    tpu.wait_indirect_dma semaphore(%arg10 : memref<!tpu.dma_semaphore, #tpu.memory_space<semaphore_mem>>) src(%dma_wait3A_268 : memref<1000000x64xf32, #tpu.memory_space<hbm>>) dst(%arg7 : memref<512x64xf32, #tpu.memory_space<vmem>>)
    %add3A_269 = arith.constant 5120 : i32
    %add3A_270 = arith.addi %mul3A_2, %add3A_269 : i32
    %dma_start3A_271 = arith.constant 0 : i32
    %dma_start3A_272 = tpu.memref_slice %arg4[%add3A_270, %dma_start3A_271] : memref<425984x64xf32, #tpu.memory_space<hbm>> -> memref<512x64xf32, #tpu.memory_space<hbm>>
    %dma_start3A_273 = arith.constant 0 : i32
    %dma_start3A_274 = tpu.memref_slice %arg4[%add3A_270, %dma_start3A_273] : memref<425984x64xf32, #tpu.memory_space<hbm>> -> memref<512x64xf32, #tpu.memory_space<hbm>>
    tpu.enqueue_dma source(%arg7 : memref<512x64xf32, #tpu.memory_space<vmem>>) target(%dma_start3A_274 : memref<512x64xf32, #tpu.memory_space<hbm>>) target_semaphore(%arg13 : memref<!tpu.dma_semaphore, #tpu.memory_space<semaphore_mem>>)
    %dma_wait3A_275 = arith.constant 0 : i32
    %dma_wait3A_276 = tpu.memref_slice %arg4[%add3A_270, %dma_wait3A_275] : memref<425984x64xf32, #tpu.memory_space<hbm>> -> memref<512x64xf32, #tpu.memory_space<hbm>>
    %dma_wait3A_277 = arith.constant 0 : i32
    %dma_wait3A_278 = tpu.memref_slice %arg4[%add3A_270, %dma_wait3A_277] : memref<425984x64xf32, #tpu.memory_space<hbm>> -> memref<512x64xf32, #tpu.memory_space<hbm>>
    tpu.wait_dma2 semaphore(%arg13 : memref<!tpu.dma_semaphore, #tpu.memory_space<semaphore_mem>>) src(%arg7 : memref<512x64xf32, #tpu.memory_space<vmem>>) dst(%dma_wait3A_278 : memref<512x64xf32, #tpu.memory_space<hbm>>)
    %dma_start3A_279 = arith.constant 13 : i32
    %dma_start3A_280 = arith.constant 0 : i32
    %dma_start3A_281 = tpu.memref_slice %arg5[%dma_start3A_279, %dma_start3A_280] : memref<26x512xi32, #tpu.memory_space<vmem>> -> memref<1x512xi32, #tpu.memory_space<vmem>>
    %dma_start3A_282 = tpu.memref_squeeze %dma_start3A_281 : memref<1x512xi32, #tpu.memory_space<vmem>> -> memref<512xi32, #tpu.memory_space<vmem>>
    %dma_start3A_283 = arith.constant 0 : i32
    %dma_start3A_284 = arith.constant 0 : i32
    %dma_start3A_285 = tpu.memref_slice %arg2[%dma_start3A_283, %dma_start3A_284] : memref<1000000x64xf32, #tpu.memory_space<hbm>> -> memref<1000000x64xf32, #tpu.memory_space<hbm>>
    tpu.enqueue_indirect_dma source(%dma_start3A_285 : memref<1000000x64xf32, #tpu.memory_space<hbm>>) target(%arg7 : memref<512x64xf32, #tpu.memory_space<vmem>>) offsets(%dma_start3A_282 : memref<512xi32, #tpu.memory_space<vmem>>) semaphore(%arg10 : memref<!tpu.dma_semaphore, #tpu.memory_space<semaphore_mem>>)
    %dma_wait3A_286 = arith.constant 11 : i32
    %dma_wait3A_287 = arith.constant 0 : i32
    %dma_wait3A_288 = tpu.memref_slice %arg5[%dma_wait3A_286, %dma_wait3A_287] : memref<26x512xi32, #tpu.memory_space<vmem>> -> memref<1x512xi32, #tpu.memory_space<vmem>>
    %dma_wait3A_289 = tpu.memref_squeeze %dma_wait3A_288 : memref<1x512xi32, #tpu.memory_space<vmem>> -> memref<512xi32, #tpu.memory_space<vmem>>
    %dma_wait3A_290 = arith.constant 0 : i32
    %dma_wait3A_291 = arith.constant 0 : i32
    %dma_wait3A_292 = tpu.memref_slice %arg2[%dma_wait3A_290, %dma_wait3A_291] : memref<1000000x64xf32, #tpu.memory_space<hbm>> -> memref<1000000x64xf32, #tpu.memory_space<hbm>>
    tpu.wait_indirect_dma semaphore(%arg11 : memref<!tpu.dma_semaphore, #tpu.memory_space<semaphore_mem>>) src(%dma_wait3A_292 : memref<1000000x64xf32, #tpu.memory_space<hbm>>) dst(%arg8 : memref<512x64xf32, #tpu.memory_space<vmem>>)
    %add3A_293 = arith.constant 5632 : i32
    %add3A_294 = arith.addi %mul3A_2, %add3A_293 : i32
    %dma_start3A_295 = arith.constant 0 : i32
    %dma_start3A_296 = tpu.memref_slice %arg4[%add3A_294, %dma_start3A_295] : memref<425984x64xf32, #tpu.memory_space<hbm>> -> memref<512x64xf32, #tpu.memory_space<hbm>>
    %dma_start3A_297 = arith.constant 0 : i32
    %dma_start3A_298 = tpu.memref_slice %arg4[%add3A_294, %dma_start3A_297] : memref<425984x64xf32, #tpu.memory_space<hbm>> -> memref<512x64xf32, #tpu.memory_space<hbm>>
    tpu.enqueue_dma source(%arg8 : memref<512x64xf32, #tpu.memory_space<vmem>>) target(%dma_start3A_298 : memref<512x64xf32, #tpu.memory_space<hbm>>) target_semaphore(%arg14 : memref<!tpu.dma_semaphore, #tpu.memory_space<semaphore_mem>>)
    %dma_wait3A_299 = arith.constant 0 : i32
    %dma_wait3A_300 = tpu.memref_slice %arg4[%add3A_294, %dma_wait3A_299] : memref<425984x64xf32, #tpu.memory_space<hbm>> -> memref<512x64xf32, #tpu.memory_space<hbm>>
    %dma_wait3A_301 = arith.constant 0 : i32
    %dma_wait3A_302 = tpu.memref_slice %arg4[%add3A_294, %dma_wait3A_301] : memref<425984x64xf32, #tpu.memory_space<hbm>> -> memref<512x64xf32, #tpu.memory_space<hbm>>
    tpu.wait_dma2 semaphore(%arg14 : memref<!tpu.dma_semaphore, #tpu.memory_space<semaphore_mem>>) src(%arg8 : memref<512x64xf32, #tpu.memory_space<vmem>>) dst(%dma_wait3A_302 : memref<512x64xf32, #tpu.memory_space<hbm>>)
    %dma_start3A_303 = arith.constant 14 : i32
    %dma_start3A_304 = arith.constant 0 : i32
    %dma_start3A_305 = tpu.memref_slice %arg5[%dma_start3A_303, %dma_start3A_304] : memref<26x512xi32, #tpu.memory_space<vmem>> -> memref<1x512xi32, #tpu.memory_space<vmem>>
    %dma_start3A_306 = tpu.memref_squeeze %dma_start3A_305 : memref<1x512xi32, #tpu.memory_space<vmem>> -> memref<512xi32, #tpu.memory_space<vmem>>
    %dma_start3A_307 = arith.constant 0 : i32
    %dma_start3A_308 = arith.constant 0 : i32
    %dma_start3A_309 = tpu.memref_slice %arg2[%dma_start3A_307, %dma_start3A_308] : memref<1000000x64xf32, #tpu.memory_space<hbm>> -> memref<1000000x64xf32, #tpu.memory_space<hbm>>
    tpu.enqueue_indirect_dma source(%dma_start3A_309 : memref<1000000x64xf32, #tpu.memory_space<hbm>>) target(%arg8 : memref<512x64xf32, #tpu.memory_space<vmem>>) offsets(%dma_start3A_306 : memref<512xi32, #tpu.memory_space<vmem>>) semaphore(%arg11 : memref<!tpu.dma_semaphore, #tpu.memory_space<semaphore_mem>>)
    %dma_wait3A_310 = arith.constant 12 : i32
    %dma_wait3A_311 = arith.constant 0 : i32
    %dma_wait3A_312 = tpu.memref_slice %arg5[%dma_wait3A_310, %dma_wait3A_311] : memref<26x512xi32, #tpu.memory_space<vmem>> -> memref<1x512xi32, #tpu.memory_space<vmem>>
    %dma_wait3A_313 = tpu.memref_squeeze %dma_wait3A_312 : memref<1x512xi32, #tpu.memory_space<vmem>> -> memref<512xi32, #tpu.memory_space<vmem>>
    %dma_wait3A_314 = arith.constant 0 : i32
    %dma_wait3A_315 = arith.constant 0 : i32
    %dma_wait3A_316 = tpu.memref_slice %arg2[%dma_wait3A_314, %dma_wait3A_315] : memref<1000000x64xf32, #tpu.memory_space<hbm>> -> memref<1000000x64xf32, #tpu.memory_space<hbm>>
    tpu.wait_indirect_dma semaphore(%arg9 : memref<!tpu.dma_semaphore, #tpu.memory_space<semaphore_mem>>) src(%dma_wait3A_316 : memref<1000000x64xf32, #tpu.memory_space<hbm>>) dst(%arg6 : memref<512x64xf32, #tpu.memory_space<vmem>>)
    %add3A_317 = arith.constant 6144 : i32
    %add3A_318 = arith.addi %mul3A_2, %add3A_317 : i32
    %dma_start3A_319 = arith.constant 0 : i32
    %dma_start3A_320 = tpu.memref_slice %arg4[%add3A_318, %dma_start3A_319] : memref<425984x64xf32, #tpu.memory_space<hbm>> -> memref<512x64xf32, #tpu.memory_space<hbm>>
    %dma_start3A_321 = arith.constant 0 : i32
    %dma_start3A_322 = tpu.memref_slice %arg4[%add3A_318, %dma_start3A_321] : memref<425984x64xf32, #tpu.memory_space<hbm>> -> memref<512x64xf32, #tpu.memory_space<hbm>>
    tpu.enqueue_dma source(%arg6 : memref<512x64xf32, #tpu.memory_space<vmem>>) target(%dma_start3A_322 : memref<512x64xf32, #tpu.memory_space<hbm>>) target_semaphore(%arg12 : memref<!tpu.dma_semaphore, #tpu.memory_space<semaphore_mem>>)
    %dma_wait3A_323 = arith.constant 0 : i32
    %dma_wait3A_324 = tpu.memref_slice %arg4[%add3A_318, %dma_wait3A_323] : memref<425984x64xf32, #tpu.memory_space<hbm>> -> memref<512x64xf32, #tpu.memory_space<hbm>>
    %dma_wait3A_325 = arith.constant 0 : i32
    %dma_wait3A_326 = tpu.memref_slice %arg4[%add3A_318, %dma_wait3A_325] : memref<425984x64xf32, #tpu.memory_space<hbm>> -> memref<512x64xf32, #tpu.memory_space<hbm>>
    tpu.wait_dma2 semaphore(%arg12 : memref<!tpu.dma_semaphore, #tpu.memory_space<semaphore_mem>>) src(%arg6 : memref<512x64xf32, #tpu.memory_space<vmem>>) dst(%dma_wait3A_326 : memref<512x64xf32, #tpu.memory_space<hbm>>)
    %dma_start3A_327 = arith.constant 15 : i32
    %dma_start3A_328 = arith.constant 0 : i32
    %dma_start3A_329 = tpu.memref_slice %arg5[%dma_start3A_327, %dma_start3A_328] : memref<26x512xi32, #tpu.memory_space<vmem>> -> memref<1x512xi32, #tpu.memory_space<vmem>>
    %dma_start3A_330 = tpu.memref_squeeze %dma_start3A_329 : memref<1x512xi32, #tpu.memory_space<vmem>> -> memref<512xi32, #tpu.memory_space<vmem>>
    %dma_start3A_331 = arith.constant 0 : i32
    %dma_start3A_332 = arith.constant 0 : i32
    %dma_start3A_333 = tpu.memref_slice %arg2[%dma_start3A_331, %dma_start3A_332] : memref<1000000x64xf32, #tpu.memory_space<hbm>> -> memref<1000000x64xf32, #tpu.memory_space<hbm>>
    tpu.enqueue_indirect_dma source(%dma_start3A_333 : memref<1000000x64xf32, #tpu.memory_space<hbm>>) target(%arg6 : memref<512x64xf32, #tpu.memory_space<vmem>>) offsets(%dma_start3A_330 : memref<512xi32, #tpu.memory_space<vmem>>) semaphore(%arg9 : memref<!tpu.dma_semaphore, #tpu.memory_space<semaphore_mem>>)
    %dma_wait3A_334 = arith.constant 13 : i32
    %dma_wait3A_335 = arith.constant 0 : i32
    %dma_wait3A_336 = tpu.memref_slice %arg5[%dma_wait3A_334, %dma_wait3A_335] : memref<26x512xi32, #tpu.memory_space<vmem>> -> memref<1x512xi32, #tpu.memory_space<vmem>>
    %dma_wait3A_337 = tpu.memref_squeeze %dma_wait3A_336 : memref<1x512xi32, #tpu.memory_space<vmem>> -> memref<512xi32, #tpu.memory_space<vmem>>
    %dma_wait3A_338 = arith.constant 0 : i32
    %dma_wait3A_339 = arith.constant 0 : i32
    %dma_wait3A_340 = tpu.memref_slice %arg2[%dma_wait3A_338, %dma_wait3A_339] : memref<1000000x64xf32, #tpu.memory_space<hbm>> -> memref<1000000x64xf32, #tpu.memory_space<hbm>>
    tpu.wait_indirect_dma semaphore(%arg10 : memref<!tpu.dma_semaphore, #tpu.memory_space<semaphore_mem>>) src(%dma_wait3A_340 : memref<1000000x64xf32, #tpu.memory_space<hbm>>) dst(%arg7 : memref<512x64xf32, #tpu.memory_space<vmem>>)
    %add3A_341 = arith.constant 6656 : i32
    %add3A_342 = arith.addi %mul3A_2, %add3A_341 : i32
    %dma_start3A_343 = arith.constant 0 : i32
    %dma_start3A_344 = tpu.memref_slice %arg4[%add3A_342, %dma_start3A_343] : memref<425984x64xf32, #tpu.memory_space<hbm>> -> memref<512x64xf32, #tpu.memory_space<hbm>>
    %dma_start3A_345 = arith.constant 0 : i32
    %dma_start3A_346 = tpu.memref_slice %arg4[%add3A_342, %dma_start3A_345] : memref<425984x64xf32, #tpu.memory_space<hbm>> -> memref<512x64xf32, #tpu.memory_space<hbm>>
    tpu.enqueue_dma source(%arg7 : memref<512x64xf32, #tpu.memory_space<vmem>>) target(%dma_start3A_346 : memref<512x64xf32, #tpu.memory_space<hbm>>) target_semaphore(%arg13 : memref<!tpu.dma_semaphore, #tpu.memory_space<semaphore_mem>>)
    %dma_wait3A_347 = arith.constant 0 : i32
    %dma_wait3A_348 = tpu.memref_slice %arg4[%add3A_342, %dma_wait3A_347] : memref<425984x64xf32, #tpu.memory_space<hbm>> -> memref<512x64xf32, #tpu.memory_space<hbm>>
    %dma_wait3A_349 = arith.constant 0 : i32
    %dma_wait3A_350 = tpu.memref_slice %arg4[%add3A_342, %dma_wait3A_349] : memref<425984x64xf32, #tpu.memory_space<hbm>> -> memref<512x64xf32, #tpu.memory_space<hbm>>
    tpu.wait_dma2 semaphore(%arg13 : memref<!tpu.dma_semaphore, #tpu.memory_space<semaphore_mem>>) src(%arg7 : memref<512x64xf32, #tpu.memory_space<vmem>>) dst(%dma_wait3A_350 : memref<512x64xf32, #tpu.memory_space<hbm>>)
    %dma_start3A_351 = arith.constant 16 : i32
    %dma_start3A_352 = arith.constant 0 : i32
    %dma_start3A_353 = tpu.memref_slice %arg5[%dma_start3A_351, %dma_start3A_352] : memref<26x512xi32, #tpu.memory_space<vmem>> -> memref<1x512xi32, #tpu.memory_space<vmem>>
    %dma_start3A_354 = tpu.memref_squeeze %dma_start3A_353 : memref<1x512xi32, #tpu.memory_space<vmem>> -> memref<512xi32, #tpu.memory_space<vmem>>
    %dma_start3A_355 = arith.constant 0 : i32
    %dma_start3A_356 = arith.constant 0 : i32
    %dma_start3A_357 = tpu.memref_slice %arg2[%dma_start3A_355, %dma_start3A_356] : memref<1000000x64xf32, #tpu.memory_space<hbm>> -> memref<1000000x64xf32, #tpu.memory_space<hbm>>
    tpu.enqueue_indirect_dma source(%dma_start3A_357 : memref<1000000x64xf32, #tpu.memory_space<hbm>>) target(%arg7 : memref<512x64xf32, #tpu.memory_space<vmem>>) offsets(%dma_start3A_354 : memref<512xi32, #tpu.memory_space<vmem>>) semaphore(%arg10 : memref<!tpu.dma_semaphore, #tpu.memory_space<semaphore_mem>>)
    %dma_wait3A_358 = arith.constant 14 : i32
    %dma_wait3A_359 = arith.constant 0 : i32
    %dma_wait3A_360 = tpu.memref_slice %arg5[%dma_wait3A_358, %dma_wait3A_359] : memref<26x512xi32, #tpu.memory_space<vmem>> -> memref<1x512xi32, #tpu.memory_space<vmem>>
    %dma_wait3A_361 = tpu.memref_squeeze %dma_wait3A_360 : memref<1x512xi32, #tpu.memory_space<vmem>> -> memref<512xi32, #tpu.memory_space<vmem>>
    %dma_wait3A_362 = arith.constant 0 : i32
    %dma_wait3A_363 = arith.constant 0 : i32
    %dma_wait3A_364 = tpu.memref_slice %arg2[%dma_wait3A_362, %dma_wait3A_363] : memref<1000000x64xf32, #tpu.memory_space<hbm>> -> memref<1000000x64xf32, #tpu.memory_space<hbm>>
    tpu.wait_indirect_dma semaphore(%arg11 : memref<!tpu.dma_semaphore, #tpu.memory_space<semaphore_mem>>) src(%dma_wait3A_364 : memref<1000000x64xf32, #tpu.memory_space<hbm>>) dst(%arg8 : memref<512x64xf32, #tpu.memory_space<vmem>>)
    %add3A_365 = arith.constant 7168 : i32
    %add3A_366 = arith.addi %mul3A_2, %add3A_365 : i32
    %dma_start3A_367 = arith.constant 0 : i32
    %dma_start3A_368 = tpu.memref_slice %arg4[%add3A_366, %dma_start3A_367] : memref<425984x64xf32, #tpu.memory_space<hbm>> -> memref<512x64xf32, #tpu.memory_space<hbm>>
    %dma_start3A_369 = arith.constant 0 : i32
    %dma_start3A_370 = tpu.memref_slice %arg4[%add3A_366, %dma_start3A_369] : memref<425984x64xf32, #tpu.memory_space<hbm>> -> memref<512x64xf32, #tpu.memory_space<hbm>>
    tpu.enqueue_dma source(%arg8 : memref<512x64xf32, #tpu.memory_space<vmem>>) target(%dma_start3A_370 : memref<512x64xf32, #tpu.memory_space<hbm>>) target_semaphore(%arg14 : memref<!tpu.dma_semaphore, #tpu.memory_space<semaphore_mem>>)
    %dma_wait3A_371 = arith.constant 0 : i32
    %dma_wait3A_372 = tpu.memref_slice %arg4[%add3A_366, %dma_wait3A_371] : memref<425984x64xf32, #tpu.memory_space<hbm>> -> memref<512x64xf32, #tpu.memory_space<hbm>>
    %dma_wait3A_373 = arith.constant 0 : i32
    %dma_wait3A_374 = tpu.memref_slice %arg4[%add3A_366, %dma_wait3A_373] : memref<425984x64xf32, #tpu.memory_space<hbm>> -> memref<512x64xf32, #tpu.memory_space<hbm>>
    tpu.wait_dma2 semaphore(%arg14 : memref<!tpu.dma_semaphore, #tpu.memory_space<semaphore_mem>>) src(%arg8 : memref<512x64xf32, #tpu.memory_space<vmem>>) dst(%dma_wait3A_374 : memref<512x64xf32, #tpu.memory_space<hbm>>)
    %dma_start3A_375 = arith.constant 17 : i32
    %dma_start3A_376 = arith.constant 0 : i32
    %dma_start3A_377 = tpu.memref_slice %arg5[%dma_start3A_375, %dma_start3A_376] : memref<26x512xi32, #tpu.memory_space<vmem>> -> memref<1x512xi32, #tpu.memory_space<vmem>>
    %dma_start3A_378 = tpu.memref_squeeze %dma_start3A_377 : memref<1x512xi32, #tpu.memory_space<vmem>> -> memref<512xi32, #tpu.memory_space<vmem>>
    %dma_start3A_379 = arith.constant 0 : i32
    %dma_start3A_380 = arith.constant 0 : i32
    %dma_start3A_381 = tpu.memref_slice %arg2[%dma_start3A_379, %dma_start3A_380] : memref<1000000x64xf32, #tpu.memory_space<hbm>> -> memref<1000000x64xf32, #tpu.memory_space<hbm>>
    tpu.enqueue_indirect_dma source(%dma_start3A_381 : memref<1000000x64xf32, #tpu.memory_space<hbm>>) target(%arg8 : memref<512x64xf32, #tpu.memory_space<vmem>>) offsets(%dma_start3A_378 : memref<512xi32, #tpu.memory_space<vmem>>) semaphore(%arg11 : memref<!tpu.dma_semaphore, #tpu.memory_space<semaphore_mem>>)
    %dma_wait3A_382 = arith.constant 15 : i32
    %dma_wait3A_383 = arith.constant 0 : i32
    %dma_wait3A_384 = tpu.memref_slice %arg5[%dma_wait3A_382, %dma_wait3A_383] : memref<26x512xi32, #tpu.memory_space<vmem>> -> memref<1x512xi32, #tpu.memory_space<vmem>>
    %dma_wait3A_385 = tpu.memref_squeeze %dma_wait3A_384 : memref<1x512xi32, #tpu.memory_space<vmem>> -> memref<512xi32, #tpu.memory_space<vmem>>
    %dma_wait3A_386 = arith.constant 0 : i32
    %dma_wait3A_387 = arith.constant 0 : i32
    %dma_wait3A_388 = tpu.memref_slice %arg2[%dma_wait3A_386, %dma_wait3A_387] : memref<1000000x64xf32, #tpu.memory_space<hbm>> -> memref<1000000x64xf32, #tpu.memory_space<hbm>>
    tpu.wait_indirect_dma semaphore(%arg9 : memref<!tpu.dma_semaphore, #tpu.memory_space<semaphore_mem>>) src(%dma_wait3A_388 : memref<1000000x64xf32, #tpu.memory_space<hbm>>) dst(%arg6 : memref<512x64xf32, #tpu.memory_space<vmem>>)
    %add3A_389 = arith.constant 7680 : i32
    %add3A_390 = arith.addi %mul3A_2, %add3A_389 : i32
    %dma_start3A_391 = arith.constant 0 : i32
    %dma_start3A_392 = tpu.memref_slice %arg4[%add3A_390, %dma_start3A_391] : memref<425984x64xf32, #tpu.memory_space<hbm>> -> memref<512x64xf32, #tpu.memory_space<hbm>>
    %dma_start3A_393 = arith.constant 0 : i32
    %dma_start3A_394 = tpu.memref_slice %arg4[%add3A_390, %dma_start3A_393] : memref<425984x64xf32, #tpu.memory_space<hbm>> -> memref<512x64xf32, #tpu.memory_space<hbm>>
    tpu.enqueue_dma source(%arg6 : memref<512x64xf32, #tpu.memory_space<vmem>>) target(%dma_start3A_394 : memref<512x64xf32, #tpu.memory_space<hbm>>) target_semaphore(%arg12 : memref<!tpu.dma_semaphore, #tpu.memory_space<semaphore_mem>>)
    %dma_wait3A_395 = arith.constant 0 : i32
    %dma_wait3A_396 = tpu.memref_slice %arg4[%add3A_390, %dma_wait3A_395] : memref<425984x64xf32, #tpu.memory_space<hbm>> -> memref<512x64xf32, #tpu.memory_space<hbm>>
    %dma_wait3A_397 = arith.constant 0 : i32
    %dma_wait3A_398 = tpu.memref_slice %arg4[%add3A_390, %dma_wait3A_397] : memref<425984x64xf32, #tpu.memory_space<hbm>> -> memref<512x64xf32, #tpu.memory_space<hbm>>
    tpu.wait_dma2 semaphore(%arg12 : memref<!tpu.dma_semaphore, #tpu.memory_space<semaphore_mem>>) src(%arg6 : memref<512x64xf32, #tpu.memory_space<vmem>>) dst(%dma_wait3A_398 : memref<512x64xf32, #tpu.memory_space<hbm>>)
    %dma_start3A_399 = arith.constant 18 : i32
    %dma_start3A_400 = arith.constant 0 : i32
    %dma_start3A_401 = tpu.memref_slice %arg5[%dma_start3A_399, %dma_start3A_400] : memref<26x512xi32, #tpu.memory_space<vmem>> -> memref<1x512xi32, #tpu.memory_space<vmem>>
    %dma_start3A_402 = tpu.memref_squeeze %dma_start3A_401 : memref<1x512xi32, #tpu.memory_space<vmem>> -> memref<512xi32, #tpu.memory_space<vmem>>
    %dma_start3A_403 = arith.constant 0 : i32
    %dma_start3A_404 = arith.constant 0 : i32
    %dma_start3A_405 = tpu.memref_slice %arg2[%dma_start3A_403, %dma_start3A_404] : memref<1000000x64xf32, #tpu.memory_space<hbm>> -> memref<1000000x64xf32, #tpu.memory_space<hbm>>
    tpu.enqueue_indirect_dma source(%dma_start3A_405 : memref<1000000x64xf32, #tpu.memory_space<hbm>>) target(%arg6 : memref<512x64xf32, #tpu.memory_space<vmem>>) offsets(%dma_start3A_402 : memref<512xi32, #tpu.memory_space<vmem>>) semaphore(%arg9 : memref<!tpu.dma_semaphore, #tpu.memory_space<semaphore_mem>>)
    %dma_wait3A_406 = arith.constant 16 : i32
    %dma_wait3A_407 = arith.constant 0 : i32
    %dma_wait3A_408 = tpu.memref_slice %arg5[%dma_wait3A_406, %dma_wait3A_407] : memref<26x512xi32, #tpu.memory_space<vmem>> -> memref<1x512xi32, #tpu.memory_space<vmem>>
    %dma_wait3A_409 = tpu.memref_squeeze %dma_wait3A_408 : memref<1x512xi32, #tpu.memory_space<vmem>> -> memref<512xi32, #tpu.memory_space<vmem>>
    %dma_wait3A_410 = arith.constant 0 : i32
    %dma_wait3A_411 = arith.constant 0 : i32
    %dma_wait3A_412 = tpu.memref_slice %arg2[%dma_wait3A_410, %dma_wait3A_411] : memref<1000000x64xf32, #tpu.memory_space<hbm>> -> memref<1000000x64xf32, #tpu.memory_space<hbm>>
    tpu.wait_indirect_dma semaphore(%arg10 : memref<!tpu.dma_semaphore, #tpu.memory_space<semaphore_mem>>) src(%dma_wait3A_412 : memref<1000000x64xf32, #tpu.memory_space<hbm>>) dst(%arg7 : memref<512x64xf32, #tpu.memory_space<vmem>>)
    %add3A_413 = arith.constant 8192 : i32
    %add3A_414 = arith.addi %mul3A_2, %add3A_413 : i32
    %dma_start3A_415 = arith.constant 0 : i32
    %dma_start3A_416 = tpu.memref_slice %arg4[%add3A_414, %dma_start3A_415] : memref<425984x64xf32, #tpu.memory_space<hbm>> -> memref<512x64xf32, #tpu.memory_space<hbm>>
    %dma_start3A_417 = arith.constant 0 : i32
    %dma_start3A_418 = tpu.memref_slice %arg4[%add3A_414, %dma_start3A_417] : memref<425984x64xf32, #tpu.memory_space<hbm>> -> memref<512x64xf32, #tpu.memory_space<hbm>>
    tpu.enqueue_dma source(%arg7 : memref<512x64xf32, #tpu.memory_space<vmem>>) target(%dma_start3A_418 : memref<512x64xf32, #tpu.memory_space<hbm>>) target_semaphore(%arg13 : memref<!tpu.dma_semaphore, #tpu.memory_space<semaphore_mem>>)
    %dma_wait3A_419 = arith.constant 0 : i32
    %dma_wait3A_420 = tpu.memref_slice %arg4[%add3A_414, %dma_wait3A_419] : memref<425984x64xf32, #tpu.memory_space<hbm>> -> memref<512x64xf32, #tpu.memory_space<hbm>>
    %dma_wait3A_421 = arith.constant 0 : i32
    %dma_wait3A_422 = tpu.memref_slice %arg4[%add3A_414, %dma_wait3A_421] : memref<425984x64xf32, #tpu.memory_space<hbm>> -> memref<512x64xf32, #tpu.memory_space<hbm>>
    tpu.wait_dma2 semaphore(%arg13 : memref<!tpu.dma_semaphore, #tpu.memory_space<semaphore_mem>>) src(%arg7 : memref<512x64xf32, #tpu.memory_space<vmem>>) dst(%dma_wait3A_422 : memref<512x64xf32, #tpu.memory_space<hbm>>)
    %dma_start3A_423 = arith.constant 19 : i32
    %dma_start3A_424 = arith.constant 0 : i32
    %dma_start3A_425 = tpu.memref_slice %arg5[%dma_start3A_423, %dma_start3A_424] : memref<26x512xi32, #tpu.memory_space<vmem>> -> memref<1x512xi32, #tpu.memory_space<vmem>>
    %dma_start3A_426 = tpu.memref_squeeze %dma_start3A_425 : memref<1x512xi32, #tpu.memory_space<vmem>> -> memref<512xi32, #tpu.memory_space<vmem>>
    %dma_start3A_427 = arith.constant 0 : i32
    %dma_start3A_428 = arith.constant 0 : i32
    %dma_start3A_429 = tpu.memref_slice %arg2[%dma_start3A_427, %dma_start3A_428] : memref<1000000x64xf32, #tpu.memory_space<hbm>> -> memref<1000000x64xf32, #tpu.memory_space<hbm>>
    tpu.enqueue_indirect_dma source(%dma_start3A_429 : memref<1000000x64xf32, #tpu.memory_space<hbm>>) target(%arg7 : memref<512x64xf32, #tpu.memory_space<vmem>>) offsets(%dma_start3A_426 : memref<512xi32, #tpu.memory_space<vmem>>) semaphore(%arg10 : memref<!tpu.dma_semaphore, #tpu.memory_space<semaphore_mem>>)
    %dma_wait3A_430 = arith.constant 17 : i32
    %dma_wait3A_431 = arith.constant 0 : i32
    %dma_wait3A_432 = tpu.memref_slice %arg5[%dma_wait3A_430, %dma_wait3A_431] : memref<26x512xi32, #tpu.memory_space<vmem>> -> memref<1x512xi32, #tpu.memory_space<vmem>>
    %dma_wait3A_433 = tpu.memref_squeeze %dma_wait3A_432 : memref<1x512xi32, #tpu.memory_space<vmem>> -> memref<512xi32, #tpu.memory_space<vmem>>
    %dma_wait3A_434 = arith.constant 0 : i32
    %dma_wait3A_435 = arith.constant 0 : i32
    %dma_wait3A_436 = tpu.memref_slice %arg2[%dma_wait3A_434, %dma_wait3A_435] : memref<1000000x64xf32, #tpu.memory_space<hbm>> -> memref<1000000x64xf32, #tpu.memory_space<hbm>>
    tpu.wait_indirect_dma semaphore(%arg11 : memref<!tpu.dma_semaphore, #tpu.memory_space<semaphore_mem>>) src(%dma_wait3A_436 : memref<1000000x64xf32, #tpu.memory_space<hbm>>) dst(%arg8 : memref<512x64xf32, #tpu.memory_space<vmem>>)
    %add3A_437 = arith.constant 8704 : i32
    %add3A_438 = arith.addi %mul3A_2, %add3A_437 : i32
    %dma_start3A_439 = arith.constant 0 : i32
    %dma_start3A_440 = tpu.memref_slice %arg4[%add3A_438, %dma_start3A_439] : memref<425984x64xf32, #tpu.memory_space<hbm>> -> memref<512x64xf32, #tpu.memory_space<hbm>>
    %dma_start3A_441 = arith.constant 0 : i32
    %dma_start3A_442 = tpu.memref_slice %arg4[%add3A_438, %dma_start3A_441] : memref<425984x64xf32, #tpu.memory_space<hbm>> -> memref<512x64xf32, #tpu.memory_space<hbm>>
    tpu.enqueue_dma source(%arg8 : memref<512x64xf32, #tpu.memory_space<vmem>>) target(%dma_start3A_442 : memref<512x64xf32, #tpu.memory_space<hbm>>) target_semaphore(%arg14 : memref<!tpu.dma_semaphore, #tpu.memory_space<semaphore_mem>>)
    %dma_wait3A_443 = arith.constant 0 : i32
    %dma_wait3A_444 = tpu.memref_slice %arg4[%add3A_438, %dma_wait3A_443] : memref<425984x64xf32, #tpu.memory_space<hbm>> -> memref<512x64xf32, #tpu.memory_space<hbm>>
    %dma_wait3A_445 = arith.constant 0 : i32
    %dma_wait3A_446 = tpu.memref_slice %arg4[%add3A_438, %dma_wait3A_445] : memref<425984x64xf32, #tpu.memory_space<hbm>> -> memref<512x64xf32, #tpu.memory_space<hbm>>
    tpu.wait_dma2 semaphore(%arg14 : memref<!tpu.dma_semaphore, #tpu.memory_space<semaphore_mem>>) src(%arg8 : memref<512x64xf32, #tpu.memory_space<vmem>>) dst(%dma_wait3A_446 : memref<512x64xf32, #tpu.memory_space<hbm>>)
    %dma_start3A_447 = arith.constant 20 : i32
    %dma_start3A_448 = arith.constant 0 : i32
    %dma_start3A_449 = tpu.memref_slice %arg5[%dma_start3A_447, %dma_start3A_448] : memref<26x512xi32, #tpu.memory_space<vmem>> -> memref<1x512xi32, #tpu.memory_space<vmem>>
    %dma_start3A_450 = tpu.memref_squeeze %dma_start3A_449 : memref<1x512xi32, #tpu.memory_space<vmem>> -> memref<512xi32, #tpu.memory_space<vmem>>
    %dma_start3A_451 = arith.constant 0 : i32
    %dma_start3A_452 = arith.constant 0 : i32
    %dma_start3A_453 = tpu.memref_slice %arg2[%dma_start3A_451, %dma_start3A_452] : memref<1000000x64xf32, #tpu.memory_space<hbm>> -> memref<1000000x64xf32, #tpu.memory_space<hbm>>
    tpu.enqueue_indirect_dma source(%dma_start3A_453 : memref<1000000x64xf32, #tpu.memory_space<hbm>>) target(%arg8 : memref<512x64xf32, #tpu.memory_space<vmem>>) offsets(%dma_start3A_450 : memref<512xi32, #tpu.memory_space<vmem>>) semaphore(%arg11 : memref<!tpu.dma_semaphore, #tpu.memory_space<semaphore_mem>>)
    %dma_wait3A_454 = arith.constant 18 : i32
    %dma_wait3A_455 = arith.constant 0 : i32
    %dma_wait3A_456 = tpu.memref_slice %arg5[%dma_wait3A_454, %dma_wait3A_455] : memref<26x512xi32, #tpu.memory_space<vmem>> -> memref<1x512xi32, #tpu.memory_space<vmem>>
    %dma_wait3A_457 = tpu.memref_squeeze %dma_wait3A_456 : memref<1x512xi32, #tpu.memory_space<vmem>> -> memref<512xi32, #tpu.memory_space<vmem>>
    %dma_wait3A_458 = arith.constant 0 : i32
    %dma_wait3A_459 = arith.constant 0 : i32
    %dma_wait3A_460 = tpu.memref_slice %arg2[%dma_wait3A_458, %dma_wait3A_459] : memref<1000000x64xf32, #tpu.memory_space<hbm>> -> memref<1000000x64xf32, #tpu.memory_space<hbm>>
    tpu.wait_indirect_dma semaphore(%arg9 : memref<!tpu.dma_semaphore, #tpu.memory_space<semaphore_mem>>) src(%dma_wait3A_460 : memref<1000000x64xf32, #tpu.memory_space<hbm>>) dst(%arg6 : memref<512x64xf32, #tpu.memory_space<vmem>>)
    %add3A_461 = arith.constant 9216 : i32
    %add3A_462 = arith.addi %mul3A_2, %add3A_461 : i32
    %dma_start3A_463 = arith.constant 0 : i32
    %dma_start3A_464 = tpu.memref_slice %arg4[%add3A_462, %dma_start3A_463] : memref<425984x64xf32, #tpu.memory_space<hbm>> -> memref<512x64xf32, #tpu.memory_space<hbm>>
    %dma_start3A_465 = arith.constant 0 : i32
    %dma_start3A_466 = tpu.memref_slice %arg4[%add3A_462, %dma_start3A_465] : memref<425984x64xf32, #tpu.memory_space<hbm>> -> memref<512x64xf32, #tpu.memory_space<hbm>>
    tpu.enqueue_dma source(%arg6 : memref<512x64xf32, #tpu.memory_space<vmem>>) target(%dma_start3A_466 : memref<512x64xf32, #tpu.memory_space<hbm>>) target_semaphore(%arg12 : memref<!tpu.dma_semaphore, #tpu.memory_space<semaphore_mem>>)
    %dma_wait3A_467 = arith.constant 0 : i32
    %dma_wait3A_468 = tpu.memref_slice %arg4[%add3A_462, %dma_wait3A_467] : memref<425984x64xf32, #tpu.memory_space<hbm>> -> memref<512x64xf32, #tpu.memory_space<hbm>>
    %dma_wait3A_469 = arith.constant 0 : i32
    %dma_wait3A_470 = tpu.memref_slice %arg4[%add3A_462, %dma_wait3A_469] : memref<425984x64xf32, #tpu.memory_space<hbm>> -> memref<512x64xf32, #tpu.memory_space<hbm>>
    tpu.wait_dma2 semaphore(%arg12 : memref<!tpu.dma_semaphore, #tpu.memory_space<semaphore_mem>>) src(%arg6 : memref<512x64xf32, #tpu.memory_space<vmem>>) dst(%dma_wait3A_470 : memref<512x64xf32, #tpu.memory_space<hbm>>)
    %dma_start3A_471 = arith.constant 21 : i32
    %dma_start3A_472 = arith.constant 0 : i32
    %dma_start3A_473 = tpu.memref_slice %arg5[%dma_start3A_471, %dma_start3A_472] : memref<26x512xi32, #tpu.memory_space<vmem>> -> memref<1x512xi32, #tpu.memory_space<vmem>>
    %dma_start3A_474 = tpu.memref_squeeze %dma_start3A_473 : memref<1x512xi32, #tpu.memory_space<vmem>> -> memref<512xi32, #tpu.memory_space<vmem>>
    %dma_start3A_475 = arith.constant 0 : i32
    %dma_start3A_476 = arith.constant 0 : i32
    %dma_start3A_477 = tpu.memref_slice %arg2[%dma_start3A_475, %dma_start3A_476] : memref<1000000x64xf32, #tpu.memory_space<hbm>> -> memref<1000000x64xf32, #tpu.memory_space<hbm>>
    tpu.enqueue_indirect_dma source(%dma_start3A_477 : memref<1000000x64xf32, #tpu.memory_space<hbm>>) target(%arg6 : memref<512x64xf32, #tpu.memory_space<vmem>>) offsets(%dma_start3A_474 : memref<512xi32, #tpu.memory_space<vmem>>) semaphore(%arg9 : memref<!tpu.dma_semaphore, #tpu.memory_space<semaphore_mem>>)
    %dma_wait3A_478 = arith.constant 19 : i32
    %dma_wait3A_479 = arith.constant 0 : i32
    %dma_wait3A_480 = tpu.memref_slice %arg5[%dma_wait3A_478, %dma_wait3A_479] : memref<26x512xi32, #tpu.memory_space<vmem>> -> memref<1x512xi32, #tpu.memory_space<vmem>>
    %dma_wait3A_481 = tpu.memref_squeeze %dma_wait3A_480 : memref<1x512xi32, #tpu.memory_space<vmem>> -> memref<512xi32, #tpu.memory_space<vmem>>
    %dma_wait3A_482 = arith.constant 0 : i32
    %dma_wait3A_483 = arith.constant 0 : i32
    %dma_wait3A_484 = tpu.memref_slice %arg2[%dma_wait3A_482, %dma_wait3A_483] : memref<1000000x64xf32, #tpu.memory_space<hbm>> -> memref<1000000x64xf32, #tpu.memory_space<hbm>>
    tpu.wait_indirect_dma semaphore(%arg10 : memref<!tpu.dma_semaphore, #tpu.memory_space<semaphore_mem>>) src(%dma_wait3A_484 : memref<1000000x64xf32, #tpu.memory_space<hbm>>) dst(%arg7 : memref<512x64xf32, #tpu.memory_space<vmem>>)
    %add3A_485 = arith.constant 9728 : i32
    %add3A_486 = arith.addi %mul3A_2, %add3A_485 : i32
    %dma_start3A_487 = arith.constant 0 : i32
    %dma_start3A_488 = tpu.memref_slice %arg4[%add3A_486, %dma_start3A_487] : memref<425984x64xf32, #tpu.memory_space<hbm>> -> memref<512x64xf32, #tpu.memory_space<hbm>>
    %dma_start3A_489 = arith.constant 0 : i32
    %dma_start3A_490 = tpu.memref_slice %arg4[%add3A_486, %dma_start3A_489] : memref<425984x64xf32, #tpu.memory_space<hbm>> -> memref<512x64xf32, #tpu.memory_space<hbm>>
    tpu.enqueue_dma source(%arg7 : memref<512x64xf32, #tpu.memory_space<vmem>>) target(%dma_start3A_490 : memref<512x64xf32, #tpu.memory_space<hbm>>) target_semaphore(%arg13 : memref<!tpu.dma_semaphore, #tpu.memory_space<semaphore_mem>>)
    %dma_wait3A_491 = arith.constant 0 : i32
    %dma_wait3A_492 = tpu.memref_slice %arg4[%add3A_486, %dma_wait3A_491] : memref<425984x64xf32, #tpu.memory_space<hbm>> -> memref<512x64xf32, #tpu.memory_space<hbm>>
    %dma_wait3A_493 = arith.constant 0 : i32
    %dma_wait3A_494 = tpu.memref_slice %arg4[%add3A_486, %dma_wait3A_493] : memref<425984x64xf32, #tpu.memory_space<hbm>> -> memref<512x64xf32, #tpu.memory_space<hbm>>
    tpu.wait_dma2 semaphore(%arg13 : memref<!tpu.dma_semaphore, #tpu.memory_space<semaphore_mem>>) src(%arg7 : memref<512x64xf32, #tpu.memory_space<vmem>>) dst(%dma_wait3A_494 : memref<512x64xf32, #tpu.memory_space<hbm>>)
    %dma_start3A_495 = arith.constant 22 : i32
    %dma_start3A_496 = arith.constant 0 : i32
    %dma_start3A_497 = tpu.memref_slice %arg5[%dma_start3A_495, %dma_start3A_496] : memref<26x512xi32, #tpu.memory_space<vmem>> -> memref<1x512xi32, #tpu.memory_space<vmem>>
    %dma_start3A_498 = tpu.memref_squeeze %dma_start3A_497 : memref<1x512xi32, #tpu.memory_space<vmem>> -> memref<512xi32, #tpu.memory_space<vmem>>
    %dma_start3A_499 = arith.constant 0 : i32
    %dma_start3A_500 = arith.constant 0 : i32
    %dma_start3A_501 = tpu.memref_slice %arg2[%dma_start3A_499, %dma_start3A_500] : memref<1000000x64xf32, #tpu.memory_space<hbm>> -> memref<1000000x64xf32, #tpu.memory_space<hbm>>
    tpu.enqueue_indirect_dma source(%dma_start3A_501 : memref<1000000x64xf32, #tpu.memory_space<hbm>>) target(%arg7 : memref<512x64xf32, #tpu.memory_space<vmem>>) offsets(%dma_start3A_498 : memref<512xi32, #tpu.memory_space<vmem>>) semaphore(%arg10 : memref<!tpu.dma_semaphore, #tpu.memory_space<semaphore_mem>>)
    %dma_wait3A_502 = arith.constant 20 : i32
    %dma_wait3A_503 = arith.constant 0 : i32
    %dma_wait3A_504 = tpu.memref_slice %arg5[%dma_wait3A_502, %dma_wait3A_503] : memref<26x512xi32, #tpu.memory_space<vmem>> -> memref<1x512xi32, #tpu.memory_space<vmem>>
    %dma_wait3A_505 = tpu.memref_squeeze %dma_wait3A_504 : memref<1x512xi32, #tpu.memory_space<vmem>> -> memref<512xi32, #tpu.memory_space<vmem>>
    %dma_wait3A_506 = arith.constant 0 : i32
    %dma_wait3A_507 = arith.constant 0 : i32
    %dma_wait3A_508 = tpu.memref_slice %arg2[%dma_wait3A_506, %dma_wait3A_507] : memref<1000000x64xf32, #tpu.memory_space<hbm>> -> memref<1000000x64xf32, #tpu.memory_space<hbm>>
    tpu.wait_indirect_dma semaphore(%arg11 : memref<!tpu.dma_semaphore, #tpu.memory_space<semaphore_mem>>) src(%dma_wait3A_508 : memref<1000000x64xf32, #tpu.memory_space<hbm>>) dst(%arg8 : memref<512x64xf32, #tpu.memory_space<vmem>>)
    %add3A_509 = arith.constant 10240 : i32
    %add3A_510 = arith.addi %mul3A_2, %add3A_509 : i32
    %dma_start3A_511 = arith.constant 0 : i32
    %dma_start3A_512 = tpu.memref_slice %arg4[%add3A_510, %dma_start3A_511] : memref<425984x64xf32, #tpu.memory_space<hbm>> -> memref<512x64xf32, #tpu.memory_space<hbm>>
    %dma_start3A_513 = arith.constant 0 : i32
    %dma_start3A_514 = tpu.memref_slice %arg4[%add3A_510, %dma_start3A_513] : memref<425984x64xf32, #tpu.memory_space<hbm>> -> memref<512x64xf32, #tpu.memory_space<hbm>>
    tpu.enqueue_dma source(%arg8 : memref<512x64xf32, #tpu.memory_space<vmem>>) target(%dma_start3A_514 : memref<512x64xf32, #tpu.memory_space<hbm>>) target_semaphore(%arg14 : memref<!tpu.dma_semaphore, #tpu.memory_space<semaphore_mem>>)
    %dma_wait3A_515 = arith.constant 0 : i32
    %dma_wait3A_516 = tpu.memref_slice %arg4[%add3A_510, %dma_wait3A_515] : memref<425984x64xf32, #tpu.memory_space<hbm>> -> memref<512x64xf32, #tpu.memory_space<hbm>>
    %dma_wait3A_517 = arith.constant 0 : i32
    %dma_wait3A_518 = tpu.memref_slice %arg4[%add3A_510, %dma_wait3A_517] : memref<425984x64xf32, #tpu.memory_space<hbm>> -> memref<512x64xf32, #tpu.memory_space<hbm>>
    tpu.wait_dma2 semaphore(%arg14 : memref<!tpu.dma_semaphore, #tpu.memory_space<semaphore_mem>>) src(%arg8 : memref<512x64xf32, #tpu.memory_space<vmem>>) dst(%dma_wait3A_518 : memref<512x64xf32, #tpu.memory_space<hbm>>)
    %dma_start3A_519 = arith.constant 23 : i32
    %dma_start3A_520 = arith.constant 0 : i32
    %dma_start3A_521 = tpu.memref_slice %arg5[%dma_start3A_519, %dma_start3A_520] : memref<26x512xi32, #tpu.memory_space<vmem>> -> memref<1x512xi32, #tpu.memory_space<vmem>>
    %dma_start3A_522 = tpu.memref_squeeze %dma_start3A_521 : memref<1x512xi32, #tpu.memory_space<vmem>> -> memref<512xi32, #tpu.memory_space<vmem>>
    %dma_start3A_523 = arith.constant 0 : i32
    %dma_start3A_524 = arith.constant 0 : i32
    %dma_start3A_525 = tpu.memref_slice %arg2[%dma_start3A_523, %dma_start3A_524] : memref<1000000x64xf32, #tpu.memory_space<hbm>> -> memref<1000000x64xf32, #tpu.memory_space<hbm>>
    tpu.enqueue_indirect_dma source(%dma_start3A_525 : memref<1000000x64xf32, #tpu.memory_space<hbm>>) target(%arg8 : memref<512x64xf32, #tpu.memory_space<vmem>>) offsets(%dma_start3A_522 : memref<512xi32, #tpu.memory_space<vmem>>) semaphore(%arg11 : memref<!tpu.dma_semaphore, #tpu.memory_space<semaphore_mem>>)
    %dma_wait3A_526 = arith.constant 21 : i32
    %dma_wait3A_527 = arith.constant 0 : i32
    %dma_wait3A_528 = tpu.memref_slice %arg5[%dma_wait3A_526, %dma_wait3A_527] : memref<26x512xi32, #tpu.memory_space<vmem>> -> memref<1x512xi32, #tpu.memory_space<vmem>>
    %dma_wait3A_529 = tpu.memref_squeeze %dma_wait3A_528 : memref<1x512xi32, #tpu.memory_space<vmem>> -> memref<512xi32, #tpu.memory_space<vmem>>
    %dma_wait3A_530 = arith.constant 0 : i32
    %dma_wait3A_531 = arith.constant 0 : i32
    %dma_wait3A_532 = tpu.memref_slice %arg2[%dma_wait3A_530, %dma_wait3A_531] : memref<1000000x64xf32, #tpu.memory_space<hbm>> -> memref<1000000x64xf32, #tpu.memory_space<hbm>>
    tpu.wait_indirect_dma semaphore(%arg9 : memref<!tpu.dma_semaphore, #tpu.memory_space<semaphore_mem>>) src(%dma_wait3A_532 : memref<1000000x64xf32, #tpu.memory_space<hbm>>) dst(%arg6 : memref<512x64xf32, #tpu.memory_space<vmem>>)
    %add3A_533 = arith.constant 10752 : i32
    %add3A_534 = arith.addi %mul3A_2, %add3A_533 : i32
    %dma_start3A_535 = arith.constant 0 : i32
    %dma_start3A_536 = tpu.memref_slice %arg4[%add3A_534, %dma_start3A_535] : memref<425984x64xf32, #tpu.memory_space<hbm>> -> memref<512x64xf32, #tpu.memory_space<hbm>>
    %dma_start3A_537 = arith.constant 0 : i32
    %dma_start3A_538 = tpu.memref_slice %arg4[%add3A_534, %dma_start3A_537] : memref<425984x64xf32, #tpu.memory_space<hbm>> -> memref<512x64xf32, #tpu.memory_space<hbm>>
    tpu.enqueue_dma source(%arg6 : memref<512x64xf32, #tpu.memory_space<vmem>>) target(%dma_start3A_538 : memref<512x64xf32, #tpu.memory_space<hbm>>) target_semaphore(%arg12 : memref<!tpu.dma_semaphore, #tpu.memory_space<semaphore_mem>>)
    %dma_wait3A_539 = arith.constant 0 : i32
    %dma_wait3A_540 = tpu.memref_slice %arg4[%add3A_534, %dma_wait3A_539] : memref<425984x64xf32, #tpu.memory_space<hbm>> -> memref<512x64xf32, #tpu.memory_space<hbm>>
    %dma_wait3A_541 = arith.constant 0 : i32
    %dma_wait3A_542 = tpu.memref_slice %arg4[%add3A_534, %dma_wait3A_541] : memref<425984x64xf32, #tpu.memory_space<hbm>> -> memref<512x64xf32, #tpu.memory_space<hbm>>
    tpu.wait_dma2 semaphore(%arg12 : memref<!tpu.dma_semaphore, #tpu.memory_space<semaphore_mem>>) src(%arg6 : memref<512x64xf32, #tpu.memory_space<vmem>>) dst(%dma_wait3A_542 : memref<512x64xf32, #tpu.memory_space<hbm>>)
    %dma_start3A_543 = arith.constant 24 : i32
    %dma_start3A_544 = arith.constant 0 : i32
    %dma_start3A_545 = tpu.memref_slice %arg5[%dma_start3A_543, %dma_start3A_544] : memref<26x512xi32, #tpu.memory_space<vmem>> -> memref<1x512xi32, #tpu.memory_space<vmem>>
    %dma_start3A_546 = tpu.memref_squeeze %dma_start3A_545 : memref<1x512xi32, #tpu.memory_space<vmem>> -> memref<512xi32, #tpu.memory_space<vmem>>
    %dma_start3A_547 = arith.constant 0 : i32
    %dma_start3A_548 = arith.constant 0 : i32
    %dma_start3A_549 = tpu.memref_slice %arg2[%dma_start3A_547, %dma_start3A_548] : memref<1000000x64xf32, #tpu.memory_space<hbm>> -> memref<1000000x64xf32, #tpu.memory_space<hbm>>
    tpu.enqueue_indirect_dma source(%dma_start3A_549 : memref<1000000x64xf32, #tpu.memory_space<hbm>>) target(%arg6 : memref<512x64xf32, #tpu.memory_space<vmem>>) offsets(%dma_start3A_546 : memref<512xi32, #tpu.memory_space<vmem>>) semaphore(%arg9 : memref<!tpu.dma_semaphore, #tpu.memory_space<semaphore_mem>>)
    %dma_wait3A_550 = arith.constant 22 : i32
    %dma_wait3A_551 = arith.constant 0 : i32
    %dma_wait3A_552 = tpu.memref_slice %arg5[%dma_wait3A_550, %dma_wait3A_551] : memref<26x512xi32, #tpu.memory_space<vmem>> -> memref<1x512xi32, #tpu.memory_space<vmem>>
    %dma_wait3A_553 = tpu.memref_squeeze %dma_wait3A_552 : memref<1x512xi32, #tpu.memory_space<vmem>> -> memref<512xi32, #tpu.memory_space<vmem>>
    %dma_wait3A_554 = arith.constant 0 : i32
    %dma_wait3A_555 = arith.constant 0 : i32
    %dma_wait3A_556 = tpu.memref_slice %arg2[%dma_wait3A_554, %dma_wait3A_555] : memref<1000000x64xf32, #tpu.memory_space<hbm>> -> memref<1000000x64xf32, #tpu.memory_space<hbm>>
    tpu.wait_indirect_dma semaphore(%arg10 : memref<!tpu.dma_semaphore, #tpu.memory_space<semaphore_mem>>) src(%dma_wait3A_556 : memref<1000000x64xf32, #tpu.memory_space<hbm>>) dst(%arg7 : memref<512x64xf32, #tpu.memory_space<vmem>>)
    %add3A_557 = arith.constant 11264 : i32
    %add3A_558 = arith.addi %mul3A_2, %add3A_557 : i32
    %dma_start3A_559 = arith.constant 0 : i32
    %dma_start3A_560 = tpu.memref_slice %arg4[%add3A_558, %dma_start3A_559] : memref<425984x64xf32, #tpu.memory_space<hbm>> -> memref<512x64xf32, #tpu.memory_space<hbm>>
    %dma_start3A_561 = arith.constant 0 : i32
    %dma_start3A_562 = tpu.memref_slice %arg4[%add3A_558, %dma_start3A_561] : memref<425984x64xf32, #tpu.memory_space<hbm>> -> memref<512x64xf32, #tpu.memory_space<hbm>>
    tpu.enqueue_dma source(%arg7 : memref<512x64xf32, #tpu.memory_space<vmem>>) target(%dma_start3A_562 : memref<512x64xf32, #tpu.memory_space<hbm>>) target_semaphore(%arg13 : memref<!tpu.dma_semaphore, #tpu.memory_space<semaphore_mem>>)
    %dma_wait3A_563 = arith.constant 0 : i32
    %dma_wait3A_564 = tpu.memref_slice %arg4[%add3A_558, %dma_wait3A_563] : memref<425984x64xf32, #tpu.memory_space<hbm>> -> memref<512x64xf32, #tpu.memory_space<hbm>>
    %dma_wait3A_565 = arith.constant 0 : i32
    %dma_wait3A_566 = tpu.memref_slice %arg4[%add3A_558, %dma_wait3A_565] : memref<425984x64xf32, #tpu.memory_space<hbm>> -> memref<512x64xf32, #tpu.memory_space<hbm>>
    tpu.wait_dma2 semaphore(%arg13 : memref<!tpu.dma_semaphore, #tpu.memory_space<semaphore_mem>>) src(%arg7 : memref<512x64xf32, #tpu.memory_space<vmem>>) dst(%dma_wait3A_566 : memref<512x64xf32, #tpu.memory_space<hbm>>)
    %dma_start3A_567 = arith.constant 25 : i32
    %dma_start3A_568 = arith.constant 0 : i32
    %dma_start3A_569 = tpu.memref_slice %arg5[%dma_start3A_567, %dma_start3A_568] : memref<26x512xi32, #tpu.memory_space<vmem>> -> memref<1x512xi32, #tpu.memory_space<vmem>>
    %dma_start3A_570 = tpu.memref_squeeze %dma_start3A_569 : memref<1x512xi32, #tpu.memory_space<vmem>> -> memref<512xi32, #tpu.memory_space<vmem>>
    %dma_start3A_571 = arith.constant 0 : i32
    %dma_start3A_572 = arith.constant 0 : i32
    %dma_start3A_573 = tpu.memref_slice %arg2[%dma_start3A_571, %dma_start3A_572] : memref<1000000x64xf32, #tpu.memory_space<hbm>> -> memref<1000000x64xf32, #tpu.memory_space<hbm>>
    tpu.enqueue_indirect_dma source(%dma_start3A_573 : memref<1000000x64xf32, #tpu.memory_space<hbm>>) target(%arg7 : memref<512x64xf32, #tpu.memory_space<vmem>>) offsets(%dma_start3A_570 : memref<512xi32, #tpu.memory_space<vmem>>) semaphore(%arg10 : memref<!tpu.dma_semaphore, #tpu.memory_space<semaphore_mem>>)
    %dma_wait3A_574 = arith.constant 23 : i32
    %dma_wait3A_575 = arith.constant 0 : i32
    %dma_wait3A_576 = tpu.memref_slice %arg5[%dma_wait3A_574, %dma_wait3A_575] : memref<26x512xi32, #tpu.memory_space<vmem>> -> memref<1x512xi32, #tpu.memory_space<vmem>>
    %dma_wait3A_577 = tpu.memref_squeeze %dma_wait3A_576 : memref<1x512xi32, #tpu.memory_space<vmem>> -> memref<512xi32, #tpu.memory_space<vmem>>
    %dma_wait3A_578 = arith.constant 0 : i32
    %dma_wait3A_579 = arith.constant 0 : i32
    %dma_wait3A_580 = tpu.memref_slice %arg2[%dma_wait3A_578, %dma_wait3A_579] : memref<1000000x64xf32, #tpu.memory_space<hbm>> -> memref<1000000x64xf32, #tpu.memory_space<hbm>>
    tpu.wait_indirect_dma semaphore(%arg11 : memref<!tpu.dma_semaphore, #tpu.memory_space<semaphore_mem>>) src(%dma_wait3A_580 : memref<1000000x64xf32, #tpu.memory_space<hbm>>) dst(%arg8 : memref<512x64xf32, #tpu.memory_space<vmem>>)
    %add3A_581 = arith.constant 11776 : i32
    %add3A_582 = arith.addi %mul3A_2, %add3A_581 : i32
    %dma_start3A_583 = arith.constant 0 : i32
    %dma_start3A_584 = tpu.memref_slice %arg4[%add3A_582, %dma_start3A_583] : memref<425984x64xf32, #tpu.memory_space<hbm>> -> memref<512x64xf32, #tpu.memory_space<hbm>>
    %dma_start3A_585 = arith.constant 0 : i32
    %dma_start3A_586 = tpu.memref_slice %arg4[%add3A_582, %dma_start3A_585] : memref<425984x64xf32, #tpu.memory_space<hbm>> -> memref<512x64xf32, #tpu.memory_space<hbm>>
    tpu.enqueue_dma source(%arg8 : memref<512x64xf32, #tpu.memory_space<vmem>>) target(%dma_start3A_586 : memref<512x64xf32, #tpu.memory_space<hbm>>) target_semaphore(%arg14 : memref<!tpu.dma_semaphore, #tpu.memory_space<semaphore_mem>>)
    %dma_wait3A_587 = arith.constant 24 : i32
    %dma_wait3A_588 = arith.constant 0 : i32
    %dma_wait3A_589 = tpu.memref_slice %arg5[%dma_wait3A_587, %dma_wait3A_588] : memref<26x512xi32, #tpu.memory_space<vmem>> -> memref<1x512xi32, #tpu.memory_space<vmem>>
    %dma_wait3A_590 = tpu.memref_squeeze %dma_wait3A_589 : memref<1x512xi32, #tpu.memory_space<vmem>> -> memref<512xi32, #tpu.memory_space<vmem>>
    %dma_wait3A_591 = arith.constant 0 : i32
    %dma_wait3A_592 = arith.constant 0 : i32
    %dma_wait3A_593 = tpu.memref_slice %arg2[%dma_wait3A_591, %dma_wait3A_592] : memref<1000000x64xf32, #tpu.memory_space<hbm>> -> memref<1000000x64xf32, #tpu.memory_space<hbm>>
    tpu.wait_indirect_dma semaphore(%arg9 : memref<!tpu.dma_semaphore, #tpu.memory_space<semaphore_mem>>) src(%dma_wait3A_593 : memref<1000000x64xf32, #tpu.memory_space<hbm>>) dst(%arg6 : memref<512x64xf32, #tpu.memory_space<vmem>>)
    %add3A_594 = arith.constant 12288 : i32
    %add3A_595 = arith.addi %mul3A_2, %add3A_594 : i32
    %dma_start3A_596 = arith.constant 0 : i32
    %dma_start3A_597 = tpu.memref_slice %arg4[%add3A_595, %dma_start3A_596] : memref<425984x64xf32, #tpu.memory_space<hbm>> -> memref<512x64xf32, #tpu.memory_space<hbm>>
    %dma_start3A_598 = arith.constant 0 : i32
    %dma_start3A_599 = tpu.memref_slice %arg4[%add3A_595, %dma_start3A_598] : memref<425984x64xf32, #tpu.memory_space<hbm>> -> memref<512x64xf32, #tpu.memory_space<hbm>>
    tpu.enqueue_dma source(%arg6 : memref<512x64xf32, #tpu.memory_space<vmem>>) target(%dma_start3A_599 : memref<512x64xf32, #tpu.memory_space<hbm>>) target_semaphore(%arg12 : memref<!tpu.dma_semaphore, #tpu.memory_space<semaphore_mem>>)
    %dma_wait3A_600 = arith.constant 25 : i32
    %dma_wait3A_601 = arith.constant 0 : i32
    %dma_wait3A_602 = tpu.memref_slice %arg5[%dma_wait3A_600, %dma_wait3A_601] : memref<26x512xi32, #tpu.memory_space<vmem>> -> memref<1x512xi32, #tpu.memory_space<vmem>>
    %dma_wait3A_603 = tpu.memref_squeeze %dma_wait3A_602 : memref<1x512xi32, #tpu.memory_space<vmem>> -> memref<512xi32, #tpu.memory_space<vmem>>
    %dma_wait3A_604 = arith.constant 0 : i32
    %dma_wait3A_605 = arith.constant 0 : i32
    %dma_wait3A_606 = tpu.memref_slice %arg2[%dma_wait3A_604, %dma_wait3A_605] : memref<1000000x64xf32, #tpu.memory_space<hbm>> -> memref<1000000x64xf32, #tpu.memory_space<hbm>>
    tpu.wait_indirect_dma semaphore(%arg10 : memref<!tpu.dma_semaphore, #tpu.memory_space<semaphore_mem>>) src(%dma_wait3A_606 : memref<1000000x64xf32, #tpu.memory_space<hbm>>) dst(%arg7 : memref<512x64xf32, #tpu.memory_space<vmem>>)
    %add3A_607 = arith.constant 12800 : i32
    %add3A_608 = arith.addi %mul3A_2, %add3A_607 : i32
    %dma_start3A_609 = arith.constant 0 : i32
    %dma_start3A_610 = tpu.memref_slice %arg4[%add3A_608, %dma_start3A_609] : memref<425984x64xf32, #tpu.memory_space<hbm>> -> memref<512x64xf32, #tpu.memory_space<hbm>>
    %dma_start3A_611 = arith.constant 0 : i32
    %dma_start3A_612 = tpu.memref_slice %arg4[%add3A_608, %dma_start3A_611] : memref<425984x64xf32, #tpu.memory_space<hbm>> -> memref<512x64xf32, #tpu.memory_space<hbm>>
    tpu.enqueue_dma source(%arg7 : memref<512x64xf32, #tpu.memory_space<vmem>>) target(%dma_start3A_612 : memref<512x64xf32, #tpu.memory_space<hbm>>) target_semaphore(%arg13 : memref<!tpu.dma_semaphore, #tpu.memory_space<semaphore_mem>>)
    %dma_wait3A_613 = arith.constant 0 : i32
    %dma_wait3A_614 = tpu.memref_slice %arg4[%add3A_582, %dma_wait3A_613] : memref<425984x64xf32, #tpu.memory_space<hbm>> -> memref<512x64xf32, #tpu.memory_space<hbm>>
    %dma_wait3A_615 = arith.constant 0 : i32
    %dma_wait3A_616 = tpu.memref_slice %arg4[%add3A_582, %dma_wait3A_615] : memref<425984x64xf32, #tpu.memory_space<hbm>> -> memref<512x64xf32, #tpu.memory_space<hbm>>
    tpu.wait_dma2 semaphore(%arg14 : memref<!tpu.dma_semaphore, #tpu.memory_space<semaphore_mem>>) src(%arg8 : memref<512x64xf32, #tpu.memory_space<vmem>>) dst(%dma_wait3A_616 : memref<512x64xf32, #tpu.memory_space<hbm>>)
    %dma_wait3A_617 = arith.constant 0 : i32
    %dma_wait3A_618 = tpu.memref_slice %arg4[%add3A_595, %dma_wait3A_617] : memref<425984x64xf32, #tpu.memory_space<hbm>> -> memref<512x64xf32, #tpu.memory_space<hbm>>
    %dma_wait3A_619 = arith.constant 0 : i32
    %dma_wait3A_620 = tpu.memref_slice %arg4[%add3A_595, %dma_wait3A_619] : memref<425984x64xf32, #tpu.memory_space<hbm>> -> memref<512x64xf32, #tpu.memory_space<hbm>>
    tpu.wait_dma2 semaphore(%arg12 : memref<!tpu.dma_semaphore, #tpu.memory_space<semaphore_mem>>) src(%arg6 : memref<512x64xf32, #tpu.memory_space<vmem>>) dst(%dma_wait3A_620 : memref<512x64xf32, #tpu.memory_space<hbm>>)
    %dma_wait3A_621 = arith.constant 0 : i32
    %dma_wait3A_622 = tpu.memref_slice %arg4[%add3A_608, %dma_wait3A_621] : memref<425984x64xf32, #tpu.memory_space<hbm>> -> memref<512x64xf32, #tpu.memory_space<hbm>>
    %dma_wait3A_623 = arith.constant 0 : i32
    %dma_wait3A_624 = tpu.memref_slice %arg4[%add3A_608, %dma_wait3A_623] : memref<425984x64xf32, #tpu.memory_space<hbm>> -> memref<512x64xf32, #tpu.memory_space<hbm>>
    tpu.wait_dma2 semaphore(%arg13 : memref<!tpu.dma_semaphore, #tpu.memory_space<semaphore_mem>>) src(%arg7 : memref<512x64xf32, #tpu.memory_space<vmem>>) dst(%dma_wait3A_624 : memref<512x64xf32, #tpu.memory_space<hbm>>)
    return
  }
}

</mosaic_0001>

<sc_bundles>
// kernel: kernel.3.cloned.1.call-start
scs
__scs_entry_jumppad:
0x0: {  	(pc) =	sbr.rel $0x88, $3  }
0x1: {  	(tag) =	ssettag $0x0;
	lr =	simm.s32 $0x1  }
0x2: {  	[smem:$0x3F9F] =	sst lr;
	_ =	strace $0xD0000000  }
0x3: {  	_ = 	snop  }
0x4: {  	_ = 	snop  }
0x5: {  	_ = 	snop  }
0x6: {  	_ = 	snop  }
0x7: {  	_ = 	snop  }
__scs_overlays_trampoline_lowered:
0x8: {  	[smem:$0x3FAE] =	sst s0  }
0x9: {  	[smem:$0x3FAF] =	sst s1  }
0xa: {  	[smem:$0x3FB0] =	sst s2  }
0xb: {  	[smem:$0x3FB1] =	sst s3  }
0xc: {  	[smem:$0x3FB2] =	sst s4  }
0xd: {  	[smem:$0x3FB3] =	sst s5  }
0xe: {  	[smem:$0x3FB4] =	sst s6  }
0xf: {  	[smem:$0x3FB5] =	sst s7  }
0x10: {  	[smem:$0x3FB6] =	sst s8  }
0x11: {  	[smem:$0x3FB7] =	sst s9;
	s0 =	simm.s32 @!p0 $0x0  }
0x12: {  	s1 =	sld [smem:$0x3F9D];
	s0 =	simm.s32 @p0 $0x1  }
0x13: {  	[smem:$0x3FB8] =	sst s0;
	s0 =	simm.s32 @!p1 $0x0  }
0x14: {  	s2 =	sld [smem:$0x3F9C];
	s0 =	simm.s32 @p1 $0x1  }
0x15: {  	[smem:$0x3FB9] =	sst s0;
	s0 =	simm.s32 @!p2 $0x0  }
0x16: {  	s3 =	sld [smem:$0x3FDB];
	s0 =	simm.s32 @p2 $0x1  }
0x17: {  	s4 =	simm.s32 $0x1BF5;
	[smem:$0x3FBB] =	sst s0  }
0x18: {  	s0 =	sld [smem:$0x3F9E];
	_ =	swait.ge [sflag:s4], $0x0  }
0x19: {  	s7 =	sld [smem:$0x3F9F]  }
0x1a: {  	s8 =	sadd.s32 $0xFFFFE003, lr  }
0x1b: {  	s9 =	sadd.s32 $0xFFFFFEF7, lr;
	s5 =	simm.s32 $0xFFFFFFFF;
	p2 =	slt.u32 s8, $0xFFFFF086  }
0x1c: {  	p1 =	slt.u32 s9, $0xF7A;
	s5 =	simm.s32 @!p2 $0x0  }
0x1d: {  	s5 =	simm.s32 @p1 $0x1;
	p0 =	seq.s32 s7, s2  }
0x1e: {  	s7 =	smul.u32 @!p0 $0xF7A, s2;
	p2 =	seq.s32 @!p0 s5, $0x0  }
0x1f: {  	s9 =	smul.u32 $0xF7A, s1;
	s8 =	simm.s32 @!p0 $0x1BF5;
	p2 =	por !p2, p0  }
0x20: {  	[sflag:s8] =	ssyncset.s32 @!p0 $0xFFFFF086;
	s6 =	sadd.s32 @!p0 s3, s7;
	s7 =	simm.s32 @!p0 $0x108  }
0x21: {  	s3 =	sadd.s32 s3, s9;
	s6 =	sadd.s32 @!p0 $0x88, s6;
	s7 =	simm.s32 @p2 $0x1082  }
0x22: {  	[simem:s7], [sflag:s8] =	dma.local @!p0 [hbm:s6], $0xF7A  }
0x23: {  	s9 =	sor.u32 $0xD0000000, s2;
	s6 =	simm.s32 $0x108;
	_ =	swait.ge @!p0 [sflag:s8], $0x0  }
0x24: {  	s3 =	sadd.s32 $0x88, s3;
	s6 =	simm.s32 @!p1 $0x1082;
	[sflag:s4] =	ssyncset.s32 $0xFFFFF086  }
0x25: {  	[simem:s6], [sflag:s4] =	dma.local [hbm:s3], $0xF7A  }
0x26: {  	[smem:$0x3F9F] =	sst s1;
	(tag) =	ssettag s2;
	_ =	strace s9  }
0x27: {  	s1 =	sld [smem:$0x3FAF]  }
0x28: {  	s2 =	sld [smem:$0x3FB0]  }
0x29: {  	s4 =	sld [smem:$0x3FB2]  }
0x2a: {  	p0 =	seq.s32 s5, $0x0;
	s5 =	sld [smem:$0x3FB3]  }
0x2b: {  	s6 =	sld [smem:$0x3FB4]  }
0x2c: {  	s7 =	sld [smem:$0x3FB5]  }
0x2d: {  	s3 =	simm.s32 $0x108;
	s8 =	sld [smem:$0x3FB6]  }
0x2e: {  	s3 =	simm.s32 @!p0 $0x1082;
	s9 =	sld [smem:$0x3FB7]  }
0x2f: {  	lr =	sadd.s32 s0, s3;
	s0 =	sld [smem:$0x3FAE]  }
0x30: {  	s3 =	sld [smem:$0x3FB1]  }
0x31: {  	[smem:$0x3FBA] =	sst s10  }
0x32: {  	s10 =	sld [smem:$0x3FB8];
	_ =	sdelay $0x3  }
0x33: {  	p0 =	seq.s32 s10, $0x1;
	s10 =	sld [smem:$0x3FBA];
	_ =	sdelay $0x3  }
0x34: {  	[smem:$0x3FBA] =	sst s10  }
0x35: {  	s10 =	sld [smem:$0x3FB9];
	_ =	sdelay $0x3  }
0x36: {  	p1 =	seq.s32 s10, $0x1;
	s10 =	sld [smem:$0x3FBA];
	_ =	sdelay $0x3  }
0x37: {  	[smem:$0x3FBA] =	sst s10  }
0x38: {  	s10 =	sld [smem:$0x3FBB]  }
0x39: {  	_ = 	snop;
	(pc) =	sbr.ind lr, $3  }
0x3a: {  	_ = 	snop  }
0x3b: {  	_ = 	snop  }
0x3c: {  	p2 =	seq.s32 s10, $0x1;
	s10 =	sld [smem:$0x3FBA]  }
0x3d: {  	_ =	shalt  }
0x3e: {  	_ =	shalt  }
0x3f: {  	_ =	shalt  }
0x40: {  	_ =	shalt  }
0x41: {  	_ =	shalt  }
0x42: {  	_ =	shalt  }
0x43: {  	_ =	shalt  }
0x44: {  	_ =	shalt  }
0x45: {  	_ =	shalt  }
0x46: {  	_ =	shalt  }
0x47: {  	_ =	shalt  }
0x48: {  	_ =	shalt  }
0x49: {  	_ =	shalt  }
0x4a: {  	_ =	shalt  }
0x4b: {  	_ =	shalt  }
0x4c: {  	_ =	shalt  }
0x4d: {  	_ =	shalt  }
0x4e: {  	_ =	shalt  }
0x4f: {  	_ =	shalt  }
0x50: {  	_ =	shalt  }
0x51: {  	_ =	shalt  }
0x52: {  	_ =	shalt  }
0x53: {  	_ =	shalt  }
0x54: {  	_ =	shalt  }
0x55: {  	_ =	shalt  }
0x56: {  	_ =	shalt  }
0x57: {  	_ =	shalt  }
0x58: {  	_ =	shalt  }
0x59: {  	_ =	shalt  }
0x5a: {  	_ =	shalt  }
0x5b: {  	_ =	shalt  }
0x5c: {  	_ =	shalt  }
0x5d: {  	_ =	shalt  }
0x5e: {  	_ =	shalt  }
0x5f: {  	_ =	shalt  }
0x60: {  	_ =	shalt  }
0x61: {  	_ =	shalt  }
0x62: {  	_ =	shalt  }
0x63: {  	_ =	shalt  }
0x64: {  	_ =	shalt  }
0x65: {  	_ =	shalt  }
0x66: {  	_ =	shalt  }
0x67: {  	_ =	shalt  }
0x68: {  	_ =	shalt  }
0x69: {  	_ =	shalt  }
0x6a: {  	_ =	shalt  }
0x6b: {  	_ =	shalt  }
0x6c: {  	_ =	shalt  }
0x6d: {  	_ =	shalt  }
0x6e: {  	_ =	shalt  }
0x6f: {  	_ =	shalt  }
0x70: {  	_ =	shalt  }
0x71: {  	_ =	shalt  }
0x72: {  	_ =	shalt  }
0x73: {  	_ =	shalt  }
0x74: {  	_ =	shalt  }
0x75: {  	_ =	shalt  }
0x76: {  	_ =	shalt  }
0x77: {  	_ =	shalt  }
0x78: {  	_ =	shalt  }
0x79: {  	_ =	shalt  }
0x7a: {  	_ =	shalt  }
0x7b: {  	_ =	shalt  }
0x7c: {  	_ =	shalt  }
0x7d: {  	_ =	shalt  }
0x7e: {  	_ =	shalt  }
0x7f: {  	_ =	shalt  }
0x80: {  	_ =	shalt  }
0x81: {  	_ =	shalt  }
0x82: {  	_ =	shalt  }
0x83: {  	_ =	shalt  }
0x84: {  	_ =	shalt  }
0x85: {  	_ =	shalt  }
0x86: {  	_ =	shalt  }
0x87: {  	_ =	shalt  }
.Lfunc_end0:
.L_simem_size_0:
called_computation.1_lowered:
.L_overlay_start_0:
0x88: {  	s2 =	sld [smem:$0x3FD9]  }
0x89: {  	s3 =	sld [smem:$0x3FFE];
	_ =	sdelay $0x1  }
0x8a: {  	s1 =	srdreg.scid  }
0x8b: {  	s0 =	sand.u32 $0x1, s1  }
0x8c: {  	s17 =	sshll.u32 s0, $0xA;
	s2 =	sadd.s32 s3, s2  }
0x8d: {  	s2 =	sadd.s32 s2, s17  }
0x8e: {  	[smem:$0x3FC6] =	sst s2  }
0x8f: {  	_ = 	snop  }
0x90: {  	s2 =	sld [smem:$0x3FD0];
	(tm) =	ssettm $0x1  }
0x91: {  	s18 =	sld [smem:$0x3FFB];
	_ =	sdelay $0x3  }
0x92: {  	_ =	strace s18  }
0x93: {  	s3 =	sld [smem:$0x3FFC];
	_ =	sdelay $0x3  }
0x94: {  	_ =	strace s3  }
0x95: {  	s3 =	sld [smem:$0x3FFD];
	_ =	sdelay $0x3  }
0x96: {  	_ =	strace s3  }
0x97: {  	_ =	strace $0x8FFFFFFF  }
0x98: {  	s19 =	sld [smem:$0x3FDB];
	_ =	sdelay $0x1  }
0x99: {  	s4 =	simm.s32 $_scs_section_size  }
0x9a: {  	s5 =	simm.s32 $_size__tile_overlayer_lowered;
	s6 =	simm.s32 $_tile_overlayer_lowered  }
0x9b: {  	s22 =	simm.s32 $0x1BFF;
	s21 =	sshll.u32 s6, $0x1;
	s3 =	sadd.s32 s4, s19  }
0x9c: {  	s7 =	simm.s32 $0x0;
	s20 =	sshll.u32 s5, $0x1;
	s5 =	sadd.s32 s21, s3  }
0x9d: {  	[timem:s7], [sflag:s22] =	dma.local [hbm:s5], s20  }
0x9e: {  	_ =	swait.ge [sflag:s22], s20  }
0x9f: {  	s4 =	ssub.s32 $0x0, s20;
	[sflag:s22] =	ssyncset.done $0x0  }
0xa0: {  	[sflag:s22] =	ssyncadd.s32 s4;
	_ =	sdelay $0x1  }
0xa1: {  	s23 =	simm.s32 $0x1B8B  }
0xa2: {  	_ =	swait.ge [sflag:s23], $0x1  }
0xa3: {  	[sflag:s23] =	ssyncset.done $0x0  }
0xa4: {  	s25 =	simm.s32 $0x1B8E;
	s24 =	sld [smem:$0x3FFE];
	[sflag:s23] =	ssyncadd.s32 $0xFFFFFFFF  }
0xa5: {  	s26 =	simm.s32 $execute0_lowered;
	[smem:$0x3FD2] =	sst s25  }
0xa6: {  	s5 =	sshll.u32 s26, $0x1;
	_ =	strace $0x80000046;
	[dreg:$0x1] =	wrdreg $0xFFFFFFFF  }
0xa7: {  	s28 =	simm.s32 $_size_execute0_lowered;
	s3 =	sadd.s32 s3, s5;
	[dreg:$0x0] =	wrdreg $0x0  }
0xa8: {  	s5 =	sshll.u32 s28, $0x1;
	[dreg:$0x2] =	wrdreg s3  }
0xa9: {  	[dreg:$0x3] =	wrdreg s5  }
0xaa: {  	[dreg:$0x4] =	wrdreg $0xC0  }
0xab: {  	_ =	task [dreg:s7], $0x5FFFF  }
0xac: {  	[dreg:$0x1] =	wrdreg $0xFFFFFFFF  }
0xad: {  	[dreg:$0x0] =	wrdreg $0x60  }
0xae: {  	[dreg:$0x2] =	wrdreg s24  }
0xaf: {  	[dreg:$0x3] =	wrdreg s2  }
0xb0: {  	[dreg:$0x4] =	wrdreg $0x9  }
0xb1: {  	_ =	task.clear_ibuf [dreg:s7], $0x5FFFF;
	_ =	strace $0x90000046  }
0xb2: {  	s29 =	simm.s32 $0x9;
	_ =	strace $0x80000048  }
0xb3: {  	_ =	swait.ge [sflag:s29], $0x1  }
0xb4: {  	[sflag:s29] =	ssyncadd.s32 $0xFFFFFFFF  }
0xb5: {  	_ =	strace $0x90000048  }
0xb6: {  	_ =	sfence  }
0xb7: {  	s30 =	sld [smem:$0x0];
	_ =	sdelay $0x2  }
0xb8: {  	s31 =	sshll.u32 s1, $0xD;
	s1 =	sshrl.u32 s1, $0x2  }
0xb9: {  	s3 =	sand.u32 $0x4000, s31;
	s1 =	sadd.s32 s1, s30  }
0xba: {  	s0 =	sor.u32 s3, s0;
	s1 =	sshll.u32 s1, $0x11  }
0xbb: {  	s0 =	sor.u32 s1, s0  }
0xbc: {  	s0 =	sadd.s32 $0x8F2B, s0  }
0xbd: {  	[sflag:s0] =	ssyncadd.remote.s32 $0x1  }
0xbe: {  	_ =	sfence.sel $0xFFFF  }
0xbf: {  	[dreg:$0x0] =	wrdreg $0xFFFFFFFF;
	(pc) =	sbr.abs _section_cstart, $3  }
0xc0: {  	[dreg:$0x1] =	wrdreg $0xFFFFFFFF  }
0xc1: {  	_ =	task.clear_ibuf [dreg:s7], $0x2FFFF;
	_ =	strace $0x9FFFFFFF  }
0xc2: {  	(tm) =	ssettm $0x7FFFFFFF  }
0xc3: {  	_ =	shalt  }
tec
execute0_lowered:
.L_overlay_start_1:
0x0: {  	(tag) =	ssettag $0x1  }
0x1: {  	s0 =	srdreg.scid;
	s1 =	stileid.u32  }
0x2: {  	s0 =	sand.u32 $0x1, s0;
	s2 =	sshll.u32 s1, $0x1  }
0x3: {  	s3 =	sor.u32 s0, s2  }
0x4: {  	s5 =	smul.u32 $0x680, s3  }
0x5: {  	s1 =	rddreg [dreg:$0x0];
	s2 =	simm.s32 $0x0;
	s6 =	smul.u32 $0x1A000, s3  }
0x6: {  	[smem:$0x7FF] =	sst s2;
	s3 =	smul.u32 $0xD0000, s3  }
0x7: {  	s4 =	rddreg [dreg:$0x1];
	_ =	strace $0x80000047;
	s5 =	sadd.s32 s5, s1  }
0x8: {  	s29 =	sadd.s32 s4, s6;
	s3 =	sshrl.u32 s3, $0x3;
	s5 =	sadd.s32 $0xA00, s5  }
0x9: {  	s16 =	sadd.s32 $0x1000, s29;
	s3 =	sadd.s32 s4, s3;
	[dreg:$0x3] =	wrdreg s5  }
0xa: {  	[dreg:$0x4] =	wrdreg s16;
	s4 =	sadd.s32 $0x2000, s3  }
0xb: {  	s17 =	sadd.s32 $0x3000, s3;
	[dreg:$0x5] =	wrdreg s4  }
0xc: {  	s18 =	sadd.s32 $0x4000, s3;
	[dreg:$0x6] =	wrdreg s17  }
0xd: {  	s19 =	sadd.s32 $0x5000, s3;
	[dreg:$0x7] =	wrdreg s18  }
0xe: {  	s20 =	sadd.s32 $0x6000, s3;
	[dreg:$0x8] =	wrdreg s19  }
0xf: {  	s21 =	sadd.s32 $0x7000, s3;
	[dreg:$0x9] =	wrdreg s20  }
0x10: {  	s22 =	sadd.s32 $0x8000, s3;
	[dreg:$0xa] =	wrdreg s21  }
0x11: {  	s23 =	sadd.s32 $0x9000, s3;
	[dreg:$0xb] =	wrdreg s22  }
0x12: {  	s24 =	sadd.s32 $0xA000, s3;
	[dreg:$0xc] =	wrdreg s23  }
0x13: {  	s25 =	sadd.s32 $0xB000, s3;
	[dreg:$0xd] =	wrdreg s24  }
0x14: {  	s26 =	sadd.s32 $0xC000, s3;
	[dreg:$0xe] =	wrdreg s25  }
0x15: {  	s5 =	sadd.s32 $0xD000, s3;
	[dreg:$0xf] =	wrdreg s26  }
0x16: {  	s6 =	sadd.s32 $0xE000, s3;
	[dreg:$0x10] =	wrdreg s5  }
0x17: {  	s7 =	sadd.s32 $0xF000, s3;
	[dreg:$0x11] =	wrdreg s6  }
0x18: {  	s8 =	sadd.s32 $0x10000, s3;
	[dreg:$0x12] =	wrdreg s7  }
0x19: {  	s9 =	sadd.s32 $0x11000, s3;
	[dreg:$0x13] =	wrdreg s8  }
0x1a: {  	s10 =	sadd.s32 $0x12000, s3;
	[dreg:$0x14] =	wrdreg s9  }
0x1b: {  	s31 =	simm.s32 $0x7;
	s11 =	sadd.s32 $0x13000, s3;
	[dreg:$0x15] =	wrdreg s10  }
0x1c: {  	s30 =	simm.s32 $0x1600;
	s12 =	sadd.s32 $0x14000, s3;
	[dreg:$0x16] =	wrdreg s11  }
0x1d: {  	s28 =	simm.s32 $0x1800;
	s13 =	sadd.s32 $0x15000, s3;
	[dreg:$0x17] =	wrdreg s12  }
0x1e: {  	p0 =	por $0x0, $0x0;
	s14 =	sadd.s32 $0x16000, s3;
	[dreg:$0x18] =	wrdreg s13  }
0x1f: {  	s0 =	ssub.s32 $0x2, s0;
	s15 =	sadd.s32 $0x17000, s3;
	[dreg:$0x19] =	wrdreg s14  }
0x20: {  	s16 =	sshrl.u32 s0, $0x1;
	[dreg:$0x1a] =	wrdreg s15;
	s17 =	sadd.s32 $0x18000, s3  }
0x21: {  	s0 =	ssub.s32 s0, s16;
	s3 =	sadd.s32 $0x19000, s3;
	s6 =	sadd.s32 $0xF42E00, s1  }
0x22: {  	s8 =	simm.s32 $0x200;
	s18 =	simm.s32 $0x400;
	s4 =	simm.s32 $0x3400  }
0x23: {  	s19 =	simm.s32 $0x600;
	s20 =	simm.s32 $0x800;
	[dreg:$0x1b] =	wrdreg s17  }
0x24: {  	s10 =	simm.s32 $0x13400;
	s21 =	simm.s32 $0xA00;
	[dreg:$0x1c] =	wrdreg s3  }
0x25: {  	s9 =	simm.s32 $0x1;
	s22 =	simm.s32 $0xC00;
	[dreg:$0x1d] =	wrdreg s18  }
0x26: {  	s5 =	simm.s32 $0x4;
	s23 =	simm.s32 $0xE00;
	[dreg:$0x1e] =	wrdreg s19  }
0x27: {  	s11 =	simm.s32 $0x2;
	s24 =	simm.s32 $0x1000;
	[dreg:$0x1f] =	wrdreg s20  }
0x28: {  	s7 =	simm.s32 $0x5;
	s25 =	simm.s32 $0x1200;
	[smem:$0x7F8] =	sst s21  }
0x29: {  	s13 =	simm.s32 $0x3;
	s26 =	simm.s32 $0x1400;
	[smem:$0x7F9] =	sst s22  }
0x2a: {  	s12 =	simm.s32 $0x6;
	s16 =	simm.s32 $0x2E00;
	[smem:$0x7FA] =	sst s23  }
0x2b: {  	s15 =	simm.s32 $0x3000;
	s0 =	smax.u32 s0, $0x1;
	[smem:$0x7FB] =	sst s24  }
0x2c: {  	s14 =	simm.s32 $0x3200;
	[smem:$0x7FC] =	sst s25;
	p1 =	sne.s32 s0, $0x1  }
.Ltmp0:
0x2d: {  	s3 =	simm.s32 $0xB400;
	[smem:$0x7FD] =	sst s26;
	(pc) =	sbr.rel @!p1 .LBB2_3-.Ltmp0, $4  }
0x2e: {  	s26 =	simm.s32 $0x1A00;
	s25 =	simm.s32 $0x1C00;
	s24 =	simm.s32 $0x1E00  }
0x2f: {  	s23 =	simm.s32 $0x2000;
	s22 =	simm.s32 $0x2200;
	s21 =	simm.s32 $0x2400  }
0x30: {  	s20 =	simm.s32 $0x2600;
	s19 =	simm.s32 $0x2800;
	s18 =	simm.s32 $0x2A00  }
0x31: {  	s17 =	simm.s32 $0x2C00;
	s1 =	sadd.s32 $0xFFFFFFFF, s0;
	s0 =	rddreg [dreg:$0x3]  }
0x32: {  	[tilespmem:s2], [sflag:$0x7] =	stream.linear.gather [hbm4b:s0+s2], $0x3400, $0x38;
	[tilespmem:$0x1B400] =	vst v63  }
0x33: {  	_ =	swait.ge [sflag:s31], $0x3400  }
0x34: {  	[sflag:s31] =	ssyncset.done $0x0  }
0x35: {  	[sflag:s31] =	ssyncadd.s32 $0xFFFFCC00  }
0x36: {  	[tilespmem:s4], [sflag:$0x1] =	stream.indirect.gather [hbm4b:s6+s8], $0x40, s2, s8, $0xb8;
	[tilespmem:$0x1B400] =	vst v63  }
0x37: {  	_ = 	snop  }
0x38: {  	[tilespmem:s3], [sflag:$0x2] =	stream.indirect.gather [hbm4b:s6+s8], $0x40, s8, s8, $0xb8;
	[tilespmem:$0x1B400] =	vst v63  }
0x39: {  	s0 =	rddreg [dreg:$0x1d]  }
0x3a: {  	[tilespmem:s10], [sflag:$0x3] =	stream.indirect.gather [hbm4b:s6+s8], $0x40, s0, s8, $0xb8;
	[tilespmem:$0x1B400] =	vst v63  }
0x3b: {  	_ =	swait.ge [sflag:s9], $0x8000  }
0x3c: {  	[sflag:s9] =	ssyncset.done $0x0  }
0x3d: {  	[sflag:s9] =	ssyncadd.s32 $0xFFFF8000  }
0x3e: {  	[hbm4b:s29+s2] =	stream.linear.scatter [tilespmem:s4], [sflag:$0x4], $0x8000, $0x38;
	[tilespmem:$0x1B400] =	vst v63  }
0x3f: {  	_ =	swait.ge [sflag:s5], $0x8000  }
0x40: {  	[sflag:s5] =	ssyncset.done $0x0  }
0x41: {  	s0 =	rddreg [dreg:$0x1e];
	[sflag:s5] =	ssyncadd.s32 $0xFFFF8000  }
0x42: {  	[tilespmem:s4], [sflag:$0x1] =	stream.indirect.gather [hbm4b:s6+s8], $0x40, s0, s8, $0xb8;
	[tilespmem:$0x1B400] =	vst v63  }
0x43: {  	_ =	swait.ge [sflag:s11], $0x8000  }
0x44: {  	[sflag:s11] =	ssyncset.done $0x0  }
0x45: {  	s0 =	rddreg [dreg:$0x4];
	[sflag:s11] =	ssyncadd.s32 $0xFFFF8000  }
0x46: {  	[hbm4b:s0+s2] =	stream.linear.scatter [tilespmem:s3], [sflag:$0x5], $0x8000, $0x38;
	[tilespmem:$0x1B400] =	vst v63  }
0x47: {  	_ =	swait.ge [sflag:s7], $0x8000  }
0x48: {  	[sflag:s7] =	ssyncset.done $0x0  }
0x49: {  	s0 =	rddreg [dreg:$0x1f];
	[sflag:s7] =	ssyncadd.s32 $0xFFFF8000  }
0x4a: {  	[tilespmem:s3], [sflag:$0x2] =	stream.indirect.gather [hbm4b:s6+s8], $0x40, s0, s8, $0xb8;
	[tilespmem:$0x1B400] =	vst v63  }
0x4b: {  	_ =	swait.ge [sflag:s13], $0x8000  }
0x4c: {  	[sflag:s13] =	ssyncset.done $0x0  }
0x4d: {  	s0 =	rddreg [dreg:$0x5];
	[sflag:s13] =	ssyncadd.s32 $0xFFFF8000  }
0x4e: {  	[hbm4b:s0+s2] =	stream.linear.scatter [tilespmem:s10], [sflag:$0x6], $0x8000, $0x38;
	[tilespmem:$0x1B400] =	vst v63  }
0x4f: {  	_ =	swait.ge [sflag:s12], $0x8000  }
0x50: {  	s0 =	sld [smem:$0x7F8]  }
0x51: {  	[sflag:s12] =	ssyncset.done $0x0  }
0x52: {  	[sflag:s12] =	ssyncadd.s32 $0xFFFF8000  }
0x53: {  	[tilespmem:s10], [sflag:$0x3] =	stream.indirect.gather [hbm4b:s6+s8], $0x40, s0, s8, $0xb8;
	[tilespmem:$0x1B400] =	vst v63  }
0x54: {  	_ =	swait.ge [sflag:s9], $0x8000  }
0x55: {  	[sflag:s9] =	ssyncset.done $0x0  }
0x56: {  	s0 =	rddreg [dreg:$0x6];
	[sflag:s9] =	ssyncadd.s32 $0xFFFF8000  }
0x57: {  	[hbm4b:s0+s2] =	stream.linear.scatter [tilespmem:s4], [sflag:$0x4], $0x8000, $0x38;
	[tilespmem:$0x1B400] =	vst v63  }
0x58: {  	_ =	swait.ge [sflag:s5], $0x8000  }
0x59: {  	s0 =	sld [smem:$0x7F9]  }
0x5a: {  	[sflag:s5] =	ssyncset.done $0x0  }
0x5b: {  	[sflag:s5] =	ssyncadd.s32 $0xFFFF8000  }
0x5c: {  	[tilespmem:s4], [sflag:$0x1] =	stream.indirect.gather [hbm4b:s6+s8], $0x40, s0, s8, $0xb8;
	[tilespmem:$0x1B400] =	vst v63  }
0x5d: {  	_ =	swait.ge [sflag:s11], $0x8000  }
0x5e: {  	[sflag:s11] =	ssyncset.done $0x0  }
0x5f: {  	s0 =	rddreg [dreg:$0x7];
	[sflag:s11] =	ssyncadd.s32 $0xFFFF8000  }
0x60: {  	[hbm4b:s0+s2] =	stream.linear.scatter [tilespmem:s3], [sflag:$0x5], $0x8000, $0x38;
	[tilespmem:$0x1B400] =	vst v63  }
0x61: {  	_ =	swait.ge [sflag:s7], $0x8000  }
0x62: {  	s0 =	sld [smem:$0x7FA]  }
0x63: {  	[sflag:s7] =	ssyncset.done $0x0  }
0x64: {  	[sflag:s7] =	ssyncadd.s32 $0xFFFF8000  }
0x65: {  	[tilespmem:s3], [sflag:$0x2] =	stream.indirect.gather [hbm4b:s6+s8], $0x40, s0, s8, $0xb8;
	[tilespmem:$0x1B400] =	vst v63  }
0x66: {  	_ =	swait.ge [sflag:s13], $0x8000  }
0x67: {  	[sflag:s13] =	ssyncset.done $0x0  }
0x68: {  	s0 =	rddreg [dreg:$0x8];
	[sflag:s13] =	ssyncadd.s32 $0xFFFF8000  }
0x69: {  	[hbm4b:s0+s2] =	stream.linear.scatter [tilespmem:s10], [sflag:$0x6], $0x8000, $0x38;
	[tilespmem:$0x1B400] =	vst v63  }
0x6a: {  	_ =	swait.ge [sflag:s12], $0x8000  }
0x6b: {  	s0 =	sld [smem:$0x7FB]  }
0x6c: {  	[sflag:s12] =	ssyncset.done $0x0  }
0x6d: {  	[sflag:s12] =	ssyncadd.s32 $0xFFFF8000  }
0x6e: {  	[tilespmem:s10], [sflag:$0x3] =	stream.indirect.gather [hbm4b:s6+s8], $0x40, s0, s8, $0xb8;
	[tilespmem:$0x1B400] =	vst v63  }
0x6f: {  	_ =	swait.ge [sflag:s9], $0x8000  }
0x70: {  	[sflag:s9] =	ssyncset.done $0x0  }
0x71: {  	s0 =	rddreg [dreg:$0x9];
	[sflag:s9] =	ssyncadd.s32 $0xFFFF8000  }
0x72: {  	[hbm4b:s0+s2] =	stream.linear.scatter [tilespmem:s4], [sflag:$0x4], $0x8000, $0x38;
	[tilespmem:$0x1B400] =	vst v63  }
0x73: {  	_ =	swait.ge [sflag:s5], $0x8000  }
0x74: {  	s0 =	sld [smem:$0x7FC]  }
0x75: {  	[sflag:s5] =	ssyncset.done $0x0  }
0x76: {  	[sflag:s5] =	ssyncadd.s32 $0xFFFF8000  }
0x77: {  	[tilespmem:s4], [sflag:$0x1] =	stream.indirect.gather [hbm4b:s6+s8], $0x40, s0, s8, $0xb8;
	[tilespmem:$0x1B400] =	vst v63  }
0x78: {  	_ =	swait.ge [sflag:s11], $0x8000  }
0x79: {  	[sflag:s11] =	ssyncset.done $0x0  }
0x7a: {  	s0 =	rddreg [dreg:$0xa];
	[sflag:s11] =	ssyncadd.s32 $0xFFFF8000  }
0x7b: {  	[hbm4b:s0+s2] =	stream.linear.scatter [tilespmem:s3], [sflag:$0x5], $0x8000, $0x38;
	[tilespmem:$0x1B400] =	vst v63  }
0x7c: {  	_ =	swait.ge [sflag:s7], $0x8000  }
0x7d: {  	s0 =	sld [smem:$0x7FD]  }
0x7e: {  	[sflag:s7] =	ssyncset.done $0x0  }
0x7f: {  	[sflag:s7] =	ssyncadd.s32 $0xFFFF8000  }
0x80: {  	[tilespmem:s3], [sflag:$0x2] =	stream.indirect.gather [hbm4b:s6+s8], $0x40, s0, s8, $0xb8;
	[tilespmem:$0x1B400] =	vst v63  }
0x81: {  	_ =	swait.ge [sflag:s13], $0x8000  }
0x82: {  	[sflag:s13] =	ssyncset.done $0x0  }
0x83: {  	s0 =	rddreg [dreg:$0xb];
	[sflag:s13] =	ssyncadd.s32 $0xFFFF8000  }
0x84: {  	[hbm4b:s0+s2] =	stream.linear.scatter [tilespmem:s10], [sflag:$0x6], $0x8000, $0x38;
	[tilespmem:$0x1B400] =	vst v63  }
0x85: {  	_ =	swait.ge [sflag:s12], $0x8000  }
0x86: {  	[sflag:s12] =	ssyncset.done $0x0  }
0x87: {  	[sflag:s12] =	ssyncadd.s32 $0xFFFF8000  }
0x88: {  	[tilespmem:s10], [sflag:$0x3] =	stream.indirect.gather [hbm4b:s6+s8], $0x40, s30, s8, $0xb8;
	[tilespmem:$0x1B400] =	vst v63  }
0x89: {  	_ =	swait.ge [sflag:s9], $0x8000  }
0x8a: {  	[sflag:s9] =	ssyncset.done $0x0  }
0x8b: {  	s0 =	rddreg [dreg:$0xc];
	[sflag:s9] =	ssyncadd.s32 $0xFFFF8000  }
0x8c: {  	[hbm4b:s0+s2] =	stream.linear.scatter [tilespmem:s4], [sflag:$0x4], $0x8000, $0x38;
	[tilespmem:$0x1B400] =	vst v63  }
0x8d: {  	_ =	swait.ge [sflag:s5], $0x8000  }
0x8e: {  	[sflag:s5] =	ssyncset.done $0x0  }
0x8f: {  	[sflag:s5] =	ssyncadd.s32 $0xFFFF8000  }
0x90: {  	[tilespmem:s4], [sflag:$0x1] =	stream.indirect.gather [hbm4b:s6+s8], $0x40, s28, s8, $0xb8;
	[tilespmem:$0x1B400] =	vst v63  }
0x91: {  	_ =	swait.ge [sflag:s11], $0x8000  }
0x92: {  	[sflag:s11] =	ssyncset.done $0x0  }
0x93: {  	s0 =	rddreg [dreg:$0xd];
	[sflag:s11] =	ssyncadd.s32 $0xFFFF8000  }
0x94: {  	[hbm4b:s0+s2] =	stream.linear.scatter [tilespmem:s3], [sflag:$0x5], $0x8000, $0x38;
	[tilespmem:$0x1B400] =	vst v63  }
0x95: {  	_ =	swait.ge [sflag:s7], $0x8000  }
0x96: {  	[sflag:s7] =	ssyncset.done $0x0  }
0x97: {  	[sflag:s7] =	ssyncadd.s32 $0xFFFF8000  }
0x98: {  	[tilespmem:s3], [sflag:$0x2] =	stream.indirect.gather [hbm4b:s6+s8], $0x40, s26, s8, $0xb8;
	[tilespmem:$0x1B400] =	vst v63  }
0x99: {  	_ =	swait.ge [sflag:s13], $0x8000  }
0x9a: {  	[sflag:s13] =	ssyncset.done $0x0  }
0x9b: {  	s0 =	rddreg [dreg:$0xe];
	[sflag:s13] =	ssyncadd.s32 $0xFFFF8000  }
0x9c: {  	[hbm4b:s0+s2] =	stream.linear.scatter [tilespmem:s10], [sflag:$0x6], $0x8000, $0x38;
	[tilespmem:$0x1B400] =	vst v63  }
0x9d: {  	_ =	swait.ge [sflag:s12], $0x8000  }
0x9e: {  	[sflag:s12] =	ssyncset.done $0x0  }
0x9f: {  	[sflag:s12] =	ssyncadd.s32 $0xFFFF8000  }
0xa0: {  	[tilespmem:s10], [sflag:$0x3] =	stream.indirect.gather [hbm4b:s6+s8], $0x40, s25, s8, $0xb8;
	[tilespmem:$0x1B400] =	vst v63  }
0xa1: {  	_ =	swait.ge [sflag:s9], $0x8000  }
0xa2: {  	[sflag:s9] =	ssyncset.done $0x0  }
0xa3: {  	s0 =	rddreg [dreg:$0xf];
	[sflag:s9] =	ssyncadd.s32 $0xFFFF8000  }
0xa4: {  	[hbm4b:s0+s2] =	stream.linear.scatter [tilespmem:s4], [sflag:$0x4], $0x8000, $0x38;
	[tilespmem:$0x1B400] =	vst v63  }
0xa5: {  	_ =	swait.ge [sflag:s5], $0x8000  }
0xa6: {  	[sflag:s5] =	ssyncset.done $0x0  }
0xa7: {  	[sflag:s5] =	ssyncadd.s32 $0xFFFF8000  }
0xa8: {  	[tilespmem:s4], [sflag:$0x1] =	stream.indirect.gather [hbm4b:s6+s8], $0x40, s24, s8, $0xb8;
	[tilespmem:$0x1B400] =	vst v63  }
0xa9: {  	_ =	swait.ge [sflag:s11], $0x8000  }
0xaa: {  	[sflag:s11] =	ssyncset.done $0x0  }
0xab: {  	s0 =	rddreg [dreg:$0x10];
	[sflag:s11] =	ssyncadd.s32 $0xFFFF8000  }
0xac: {  	[hbm4b:s0+s2] =	stream.linear.scatter [tilespmem:s3], [sflag:$0x5], $0x8000, $0x38;
	[tilespmem:$0x1B400] =	vst v63  }
0xad: {  	_ =	swait.ge [sflag:s7], $0x8000  }
0xae: {  	[sflag:s7] =	ssyncset.done $0x0  }
0xaf: {  	[sflag:s7] =	ssyncadd.s32 $0xFFFF8000  }
0xb0: {  	[tilespmem:s3], [sflag:$0x2] =	stream.indirect.gather [hbm4b:s6+s8], $0x40, s23, s8, $0xb8;
	[tilespmem:$0x1B400] =	vst v63  }
0xb1: {  	_ =	swait.ge [sflag:s13], $0x8000  }
0xb2: {  	[sflag:s13] =	ssyncset.done $0x0  }
0xb3: {  	s0 =	rddreg [dreg:$0x11];
	[sflag:s13] =	ssyncadd.s32 $0xFFFF8000  }
0xb4: {  	[hbm4b:s0+s2] =	stream.linear.scatter [tilespmem:s10], [sflag:$0x6], $0x8000, $0x38;
	[tilespmem:$0x1B400] =	vst v63  }
0xb5: {  	_ =	swait.ge [sflag:s12], $0x8000  }
0xb6: {  	[sflag:s12] =	ssyncset.done $0x0  }
0xb7: {  	[sflag:s12] =	ssyncadd.s32 $0xFFFF8000  }
0xb8: {  	[tilespmem:s10], [sflag:$0x3] =	stream.indirect.gather [hbm4b:s6+s8], $0x40, s22, s8, $0xb8;
	[tilespmem:$0x1B400] =	vst v63  }
0xb9: {  	_ =	swait.ge [sflag:s9], $0x8000  }
0xba: {  	[sflag:s9] =	ssyncset.done $0x0  }
0xbb: {  	s0 =	rddreg [dreg:$0x12];
	[sflag:s9] =	ssyncadd.s32 $0xFFFF8000  }
0xbc: {  	[hbm4b:s0+s2] =	stream.linear.scatter [tilespmem:s4], [sflag:$0x4], $0x8000, $0x38;
	[tilespmem:$0x1B400] =	vst v63  }
0xbd: {  	_ =	swait.ge [sflag:s5], $0x8000  }
0xbe: {  	[sflag:s5] =	ssyncset.done $0x0  }
0xbf: {  	[sflag:s5] =	ssyncadd.s32 $0xFFFF8000  }
0xc0: {  	[tilespmem:s4], [sflag:$0x1] =	stream.indirect.gather [hbm4b:s6+s8], $0x40, s21, s8, $0xb8;
	[tilespmem:$0x1B400] =	vst v63  }
0xc1: {  	_ =	swait.ge [sflag:s11], $0x8000  }
0xc2: {  	[sflag:s11] =	ssyncset.done $0x0  }
0xc3: {  	s0 =	rddreg [dreg:$0x13];
	[sflag:s11] =	ssyncadd.s32 $0xFFFF8000  }
0xc4: {  	[hbm4b:s0+s2] =	stream.linear.scatter [tilespmem:s3], [sflag:$0x5], $0x8000, $0x38;
	[tilespmem:$0x1B400] =	vst v63  }
0xc5: {  	_ =	swait.ge [sflag:s7], $0x8000  }
0xc6: {  	[sflag:s7] =	ssyncset.done $0x0  }
0xc7: {  	[sflag:s7] =	ssyncadd.s32 $0xFFFF8000  }
0xc8: {  	[tilespmem:s3], [sflag:$0x2] =	stream.indirect.gather [hbm4b:s6+s8], $0x40, s20, s8, $0xb8;
	[tilespmem:$0x1B400] =	vst v63  }
0xc9: {  	_ =	swait.ge [sflag:s13], $0x8000  }
0xca: {  	[sflag:s13] =	ssyncset.done $0x0  }
0xcb: {  	s0 =	rddreg [dreg:$0x14];
	[sflag:s13] =	ssyncadd.s32 $0xFFFF8000  }
0xcc: {  	[hbm4b:s0+s2] =	stream.linear.scatter [tilespmem:s10], [sflag:$0x6], $0x8000, $0x38;
	[tilespmem:$0x1B400] =	vst v63  }
0xcd: {  	_ =	swait.ge [sflag:s12], $0x8000  }
0xce: {  	[sflag:s12] =	ssyncset.done $0x0  }
0xcf: {  	[sflag:s12] =	ssyncadd.s32 $0xFFFF8000  }
0xd0: {  	[tilespmem:s10], [sflag:$0x3] =	stream.indirect.gather [hbm4b:s6+s8], $0x40, s19, s8, $0xb8;
	[tilespmem:$0x1B400] =	vst v63  }
0xd1: {  	_ =	swait.ge [sflag:s9], $0x8000  }
0xd2: {  	[sflag:s9] =	ssyncset.done $0x0  }
0xd3: {  	s0 =	rddreg [dreg:$0x15];
	[sflag:s9] =	ssyncadd.s32 $0xFFFF8000  }
0xd4: {  	[hbm4b:s0+s2] =	stream.linear.scatter [tilespmem:s4], [sflag:$0x4], $0x8000, $0x38;
	[tilespmem:$0x1B400] =	vst v63  }
0xd5: {  	_ =	swait.ge [sflag:s5], $0x8000  }
0xd6: {  	[sflag:s5] =	ssyncset.done $0x0  }
0xd7: {  	[sflag:s5] =	ssyncadd.s32 $0xFFFF8000  }
0xd8: {  	[tilespmem:s4], [sflag:$0x1] =	stream.indirect.gather [hbm4b:s6+s8], $0x40, s18, s8, $0xb8;
	[tilespmem:$0x1B400] =	vst v63  }
0xd9: {  	_ =	swait.ge [sflag:s11], $0x8000  }
0xda: {  	[sflag:s11] =	ssyncset.done $0x0  }
0xdb: {  	s0 =	rddreg [dreg:$0x16];
	[sflag:s11] =	ssyncadd.s32 $0xFFFF8000  }
0xdc: {  	[hbm4b:s0+s2] =	stream.linear.scatter [tilespmem:s3], [sflag:$0x5], $0x8000, $0x38;
	[tilespmem:$0x1B400] =	vst v63  }
0xdd: {  	_ =	swait.ge [sflag:s7], $0x8000  }
0xde: {  	[sflag:s7] =	ssyncset.done $0x0  }
0xdf: {  	[sflag:s7] =	ssyncadd.s32 $0xFFFF8000  }
0xe0: {  	[tilespmem:s3], [sflag:$0x2] =	stream.indirect.gather [hbm4b:s6+s8], $0x40, s17, s8, $0xb8;
	[tilespmem:$0x1B400] =	vst v63  }
0xe1: {  	_ =	swait.ge [sflag:s13], $0x8000  }
0xe2: {  	[sflag:s13] =	ssyncset.done $0x0  }
0xe3: {  	s0 =	rddreg [dreg:$0x17];
	[sflag:s13] =	ssyncadd.s32 $0xFFFF8000  }
0xe4: {  	[hbm4b:s0+s2] =	stream.linear.scatter [tilespmem:s10], [sflag:$0x6], $0x8000, $0x38;
	[tilespmem:$0x1B400] =	vst v63  }
0xe5: {  	_ =	swait.ge [sflag:s12], $0x8000  }
0xe6: {  	[sflag:s12] =	ssyncset.done $0x0  }
0xe7: {  	[sflag:s12] =	ssyncadd.s32 $0xFFFF8000  }
0xe8: {  	[tilespmem:s10], [sflag:$0x3] =	stream.indirect.gather [hbm4b:s6+s8], $0x40, s16, s8, $0xb8;
	[tilespmem:$0x1B400] =	vst v63  }
0xe9: {  	_ =	swait.ge [sflag:s9], $0x8000  }
0xea: {  	[sflag:s9] =	ssyncset.done $0x0  }
0xeb: {  	s0 =	rddreg [dreg:$0x18];
	[sflag:s9] =	ssyncadd.s32 $0xFFFF8000  }
0xec: {  	[hbm4b:s0+s2] =	stream.linear.scatter [tilespmem:s4], [sflag:$0x4], $0x8000, $0x38;
	[tilespmem:$0x1B400] =	vst v63  }
0xed: {  	_ =	swait.ge [sflag:s5], $0x8000  }
0xee: {  	[sflag:s5] =	ssyncset.done $0x0  }
0xef: {  	[sflag:s5] =	ssyncadd.s32 $0xFFFF8000  }
0xf0: {  	[tilespmem:s4], [sflag:$0x1] =	stream.indirect.gather [hbm4b:s6+s8], $0x40, s15, s8, $0xb8;
	[tilespmem:$0x1B400] =	vst v63  }
0xf1: {  	_ =	swait.ge [sflag:s11], $0x8000  }
0xf2: {  	[sflag:s11] =	ssyncset.done $0x0  }
0xf3: {  	s0 =	rddreg [dreg:$0x19];
	[sflag:s11] =	ssyncadd.s32 $0xFFFF8000  }
0xf4: {  	[hbm4b:s0+s2] =	stream.linear.scatter [tilespmem:s3], [sflag:$0x5], $0x8000, $0x38;
	[tilespmem:$0x1B400] =	vst v63  }
0xf5: {  	_ =	swait.ge [sflag:s7], $0x8000  }
0xf6: {  	[sflag:s7] =	ssyncset.done $0x0  }
0xf7: {  	[sflag:s7] =	ssyncadd.s32 $0xFFFF8000  }
0xf8: {  	[tilespmem:s3], [sflag:$0x2] =	stream.indirect.gather [hbm4b:s6+s8], $0x40, s14, s8, $0xb8;
	[tilespmem:$0x1B400] =	vst v63  }
0xf9: {  	_ =	swait.ge [sflag:s13], $0x8000  }
0xfa: {  	[sflag:s13] =	ssyncset.done $0x0  }
0xfb: {  	s0 =	rddreg [dreg:$0x1a];
	[sflag:s13] =	ssyncadd.s32 $0xFFFF8000  }
0xfc: {  	[hbm4b:s0+s2] =	stream.linear.scatter [tilespmem:s10], [sflag:$0x6], $0x8000, $0x38;
	[tilespmem:$0x1B400] =	vst v63  }
0xfd: {  	_ =	swait.ge [sflag:s9], $0x8000  }
0xfe: {  	[sflag:s9] =	ssyncset.done $0x0  }
0xff: {  	s0 =	rddreg [dreg:$0x1b];
	[sflag:s9] =	ssyncadd.s32 $0xFFFF8000  }
0x100: {  	[hbm4b:s0+s2] =	stream.linear.scatter [tilespmem:s4], [sflag:$0x4], $0x8000, $0x38;
	[tilespmem:$0x1B400] =	vst v63  }
0x101: {  	_ =	swait.ge [sflag:s11], $0x8000  }
0x102: {  	[sflag:s11] =	ssyncset.done $0x0  }
0x103: {  	s0 =	rddreg [dreg:$0x1c];
	[sflag:s11] =	ssyncadd.s32 $0xFFFF8000  }
0x104: {  	[hbm4b:s0+s2] =	stream.linear.scatter [tilespmem:s3], [sflag:$0x5], $0x8000, $0x38;
	[tilespmem:$0x1B400] =	vst v63  }
0x105: {  	_ =	swait.ge [sflag:s12], $0x8000  }
0x106: {  	[sflag:s12] =	ssyncset.done $0x0  }
0x107: {  	p1 =	sne.s32 s1, $0x1;
	[sflag:s12] =	ssyncadd.s32 $0xFFFF8000  }
.Ltmp1:
0x108: {  	_ =	swait.ge [sflag:s5], $0x8000;
	(pc) =	sbr.rel @!p1 .LBB2_3-.Ltmp1, $4  }
0x109: {  	[sflag:s5] =	ssyncset.done $0x0  }
0x10a: {  	[sflag:s5] =	ssyncadd.s32 $0xFFFF8000  }
0x10b: {  	s1 =	sadd.s32 $0xFFFFFFFF, s1;
	_ =	swait.ge [sflag:s7], $0x8000  }
0x10c: {  	p0 =	por $0x1, $0x1;
	s0 =	rddreg [dreg:$0x3];
	[sflag:s7] =	ssyncset.done $0x0  }
.LBB2_2:
0x10d: {  	[sflag:s7] =	ssyncadd.s32 $0xFFFF8000  }
0x10e: {  	[tilespmem:s2], [sflag:$0x7] =	stream.linear.gather [hbm4b:s0+s2], $0x3400, $0x38;
	[tilespmem:$0x1B400] =	vst v63  }
0x10f: {  	_ =	swait.ge [sflag:s31], $0x3400  }
0x110: {  	[sflag:s31] =	ssyncset.done $0x0  }
0x111: {  	[sflag:s31] =	ssyncadd.s32 $0xFFFFCC00  }
0x112: {  	[tilespmem:s4], [sflag:$0x1] =	stream.indirect.gather [hbm4b:s6+s8], $0x40, s2, s8, $0xb8;
	[tilespmem:$0x1B400] =	vst v63  }
0x113: {  	_ = 	snop  }
0x114: {  	[tilespmem:s3], [sflag:$0x2] =	stream.indirect.gather [hbm4b:s6+s8], $0x40, s8, s8, $0xb8;
	[tilespmem:$0x1B400] =	vst v63  }
0x115: {  	s0 =	rddreg [dreg:$0x1d]  }
0x116: {  	[tilespmem:s10], [sflag:$0x3] =	stream.indirect.gather [hbm4b:s6+s8], $0x40, s0, s8, $0xb8;
	[tilespmem:$0x1B400] =	vst v63  }
0x117: {  	_ =	swait.ge [sflag:s9], $0x8000  }
0x118: {  	[sflag:s9] =	ssyncset.done $0x0  }
0x119: {  	[sflag:s9] =	ssyncadd.s32 $0xFFFF8000  }
0x11a: {  	[hbm4b:s29+s2] =	stream.linear.scatter [tilespmem:s4], [sflag:$0x4], $0x8000, $0x38;
	[tilespmem:$0x1B400] =	vst v63  }
0x11b: {  	_ =	swait.ge [sflag:s5], $0x8000  }
0x11c: {  	[sflag:s5] =	ssyncset.done $0x0  }
0x11d: {  	s0 =	rddreg [dreg:$0x1e];
	[sflag:s5] =	ssyncadd.s32 $0xFFFF8000  }
0x11e: {  	[tilespmem:s4], [sflag:$0x1] =	stream.indirect.gather [hbm4b:s6+s8], $0x40, s0, s8, $0xb8;
	[tilespmem:$0x1B400] =	vst v63  }
0x11f: {  	_ =	swait.ge [sflag:s11], $0x8000  }
0x120: {  	[sflag:s11] =	ssyncset.done $0x0  }
0x121: {  	s0 =	rddreg [dreg:$0x4];
	[sflag:s11] =	ssyncadd.s32 $0xFFFF8000  }
0x122: {  	[hbm4b:s0+s2] =	stream.linear.scatter [tilespmem:s3], [sflag:$0x5], $0x8000, $0x38;
	[tilespmem:$0x1B400] =	vst v63  }
0x123: {  	_ =	swait.ge [sflag:s7], $0x8000  }
0x124: {  	[sflag:s7] =	ssyncset.done $0x0  }
0x125: {  	s0 =	rddreg [dreg:$0x1f];
	[sflag:s7] =	ssyncadd.s32 $0xFFFF8000  }
0x126: {  	[tilespmem:s3], [sflag:$0x2] =	stream.indirect.gather [hbm4b:s6+s8], $0x40, s0, s8, $0xb8;
	[tilespmem:$0x1B400] =	vst v63  }
0x127: {  	_ =	swait.ge [sflag:s13], $0x8000  }
0x128: {  	[sflag:s13] =	ssyncset.done $0x0  }
0x129: {  	s0 =	rddreg [dreg:$0x5];
	[sflag:s13] =	ssyncadd.s32 $0xFFFF8000  }
0x12a: {  	[hbm4b:s0+s2] =	stream.linear.scatter [tilespmem:s10], [sflag:$0x6], $0x8000, $0x38;
	[tilespmem:$0x1B400] =	vst v63  }
0x12b: {  	_ =	swait.ge [sflag:s12], $0x8000  }
0x12c: {  	s0 =	sld [smem:$0x7F8]  }
0x12d: {  	[sflag:s12] =	ssyncset.done $0x0  }
0x12e: {  	[sflag:s12] =	ssyncadd.s32 $0xFFFF8000  }
0x12f: {  	[tilespmem:s10], [sflag:$0x3] =	stream.indirect.gather [hbm4b:s6+s8], $0x40, s0, s8, $0xb8;
	[tilespmem:$0x1B400] =	vst v63  }
0x130: {  	_ =	swait.ge [sflag:s9], $0x8000  }
0x131: {  	[sflag:s9] =	ssyncset.done $0x0  }
0x132: {  	s0 =	rddreg [dreg:$0x6];
	[sflag:s9] =	ssyncadd.s32 $0xFFFF8000  }
0x133: {  	[hbm4b:s0+s2] =	stream.linear.scatter [tilespmem:s4], [sflag:$0x4], $0x8000, $0x38;
	[tilespmem:$0x1B400] =	vst v63  }
0x134: {  	_ =	swait.ge [sflag:s5], $0x8000  }
0x135: {  	s0 =	sld [smem:$0x7F9]  }
0x136: {  	[sflag:s5] =	ssyncset.done $0x0  }
0x137: {  	[sflag:s5] =	ssyncadd.s32 $0xFFFF8000  }
0x138: {  	[tilespmem:s4], [sflag:$0x1] =	stream.indirect.gather [hbm4b:s6+s8], $0x40, s0, s8, $0xb8;
	[tilespmem:$0x1B400] =	vst v63  }
0x139: {  	_ =	swait.ge [sflag:s11], $0x8000  }
0x13a: {  	[sflag:s11] =	ssyncset.done $0x0  }
0x13b: {  	s0 =	rddreg [dreg:$0x7];
	[sflag:s11] =	ssyncadd.s32 $0xFFFF8000  }
0x13c: {  	[hbm4b:s0+s2] =	stream.linear.scatter [tilespmem:s3], [sflag:$0x5], $0x8000, $0x38;
	[tilespmem:$0x1B400] =	vst v63  }
0x13d: {  	_ =	swait.ge [sflag:s7], $0x8000  }
0x13e: {  	s0 =	sld [smem:$0x7FA]  }
0x13f: {  	[sflag:s7] =	ssyncset.done $0x0  }
0x140: {  	[sflag:s7] =	ssyncadd.s32 $0xFFFF8000  }
0x141: {  	[tilespmem:s3], [sflag:$0x2] =	stream.indirect.gather [hbm4b:s6+s8], $0x40, s0, s8, $0xb8;
	[tilespmem:$0x1B400] =	vst v63  }
0x142: {  	_ =	swait.ge [sflag:s13], $0x8000  }
0x143: {  	[sflag:s13] =	ssyncset.done $0x0  }
0x144: {  	s0 =	rddreg [dreg:$0x8];
	[sflag:s13] =	ssyncadd.s32 $0xFFFF8000  }
0x145: {  	[hbm4b:s0+s2] =	stream.linear.scatter [tilespmem:s10], [sflag:$0x6], $0x8000, $0x38;
	[tilespmem:$0x1B400] =	vst v63  }
0x146: {  	_ =	swait.ge [sflag:s12], $0x8000  }
0x147: {  	s0 =	sld [smem:$0x7FB]  }
0x148: {  	[sflag:s12] =	ssyncset.done $0x0  }
0x149: {  	[sflag:s12] =	ssyncadd.s32 $0xFFFF8000  }
0x14a: {  	[tilespmem:s10], [sflag:$0x3] =	stream.indirect.gather [hbm4b:s6+s8], $0x40, s0, s8, $0xb8;
	[tilespmem:$0x1B400] =	vst v63  }
0x14b: {  	_ =	swait.ge [sflag:s9], $0x8000  }
0x14c: {  	[sflag:s9] =	ssyncset.done $0x0  }
0x14d: {  	s0 =	rddreg [dreg:$0x9];
	[sflag:s9] =	ssyncadd.s32 $0xFFFF8000  }
0x14e: {  	[hbm4b:s0+s2] =	stream.linear.scatter [tilespmem:s4], [sflag:$0x4], $0x8000, $0x38;
	[tilespmem:$0x1B400] =	vst v63  }
0x14f: {  	_ =	swait.ge [sflag:s5], $0x8000  }
0x150: {  	s0 =	sld [smem:$0x7FC]  }
0x151: {  	[sflag:s5] =	ssyncset.done $0x0  }
0x152: {  	[sflag:s5] =	ssyncadd.s32 $0xFFFF8000  }
0x153: {  	[tilespmem:s4], [sflag:$0x1] =	stream.indirect.gather [hbm4b:s6+s8], $0x40, s0, s8, $0xb8;
	[tilespmem:$0x1B400] =	vst v63  }
0x154: {  	_ =	swait.ge [sflag:s11], $0x8000  }
0x155: {  	[sflag:s11] =	ssyncset.done $0x0  }
0x156: {  	s0 =	rddreg [dreg:$0xa];
	[sflag:s11] =	ssyncadd.s32 $0xFFFF8000  }
0x157: {  	[hbm4b:s0+s2] =	stream.linear.scatter [tilespmem:s3], [sflag:$0x5], $0x8000, $0x38;
	[tilespmem:$0x1B400] =	vst v63  }
0x158: {  	_ =	swait.ge [sflag:s7], $0x8000  }
0x159: {  	s0 =	sld [smem:$0x7FD]  }
0x15a: {  	[sflag:s7] =	ssyncset.done $0x0  }
0x15b: {  	[sflag:s7] =	ssyncadd.s32 $0xFFFF8000  }
0x15c: {  	[tilespmem:s3], [sflag:$0x2] =	stream.indirect.gather [hbm4b:s6+s8], $0x40, s0, s8, $0xb8;
	[tilespmem:$0x1B400] =	vst v63  }
0x15d: {  	_ =	swait.ge [sflag:s13], $0x8000  }
0x15e: {  	[sflag:s13] =	ssyncset.done $0x0  }
0x15f: {  	s0 =	rddreg [dreg:$0xb];
	[sflag:s13] =	ssyncadd.s32 $0xFFFF8000  }
0x160: {  	[hbm4b:s0+s2] =	stream.linear.scatter [tilespmem:s10], [sflag:$0x6], $0x8000, $0x38;
	[tilespmem:$0x1B400] =	vst v63  }
0x161: {  	_ =	swait.ge [sflag:s12], $0x8000  }
0x162: {  	[sflag:s12] =	ssyncset.done $0x0  }
0x163: {  	[sflag:s12] =	ssyncadd.s32 $0xFFFF8000  }
0x164: {  	[tilespmem:s10], [sflag:$0x3] =	stream.indirect.gather [hbm4b:s6+s8], $0x40, s30, s8, $0xb8;
	[tilespmem:$0x1B400] =	vst v63  }
0x165: {  	_ =	swait.ge [sflag:s9], $0x8000  }
0x166: {  	[sflag:s9] =	ssyncset.done $0x0  }
0x167: {  	s0 =	rddreg [dreg:$0xc];
	[sflag:s9] =	ssyncadd.s32 $0xFFFF8000  }
0x168: {  	[hbm4b:s0+s2] =	stream.linear.scatter [tilespmem:s4], [sflag:$0x4], $0x8000, $0x38;
	[tilespmem:$0x1B400] =	vst v63  }
0x169: {  	_ =	swait.ge [sflag:s5], $0x8000  }
0x16a: {  	[sflag:s5] =	ssyncset.done $0x0  }
0x16b: {  	[sflag:s5] =	ssyncadd.s32 $0xFFFF8000  }
0x16c: {  	[tilespmem:s4], [sflag:$0x1] =	stream.indirect.gather [hbm4b:s6+s8], $0x40, s28, s8, $0xb8;
	[tilespmem:$0x1B400] =	vst v63  }
0x16d: {  	_ =	swait.ge [sflag:s11], $0x8000  }
0x16e: {  	[sflag:s11] =	ssyncset.done $0x0  }
0x16f: {  	s0 =	rddreg [dreg:$0xd];
	[sflag:s11] =	ssyncadd.s32 $0xFFFF8000  }
0x170: {  	[hbm4b:s0+s2] =	stream.linear.scatter [tilespmem:s3], [sflag:$0x5], $0x8000, $0x38;
	[tilespmem:$0x1B400] =	vst v63  }
0x171: {  	_ =	swait.ge [sflag:s7], $0x8000  }
0x172: {  	[sflag:s7] =	ssyncset.done $0x0  }
0x173: {  	[sflag:s7] =	ssyncadd.s32 $0xFFFF8000  }
0x174: {  	[tilespmem:s3], [sflag:$0x2] =	stream.indirect.gather [hbm4b:s6+s8], $0x40, s26, s8, $0xb8;
	[tilespmem:$0x1B400] =	vst v63  }
0x175: {  	_ =	swait.ge [sflag:s13], $0x8000  }
0x176: {  	[sflag:s13] =	ssyncset.done $0x0  }
0x177: {  	s0 =	rddreg [dreg:$0xe];
	[sflag:s13] =	ssyncadd.s32 $0xFFFF8000  }
0x178: {  	[hbm4b:s0+s2] =	stream.linear.scatter [tilespmem:s10], [sflag:$0x6], $0x8000, $0x38;
	[tilespmem:$0x1B400] =	vst v63  }
0x179: {  	_ =	swait.ge [sflag:s12], $0x8000  }
0x17a: {  	[sflag:s12] =	ssyncset.done $0x0  }
0x17b: {  	[sflag:s12] =	ssyncadd.s32 $0xFFFF8000  }
0x17c: {  	[tilespmem:s10], [sflag:$0x3] =	stream.indirect.gather [hbm4b:s6+s8], $0x40, s25, s8, $0xb8;
	[tilespmem:$0x1B400] =	vst v63  }
0x17d: {  	_ =	swait.ge [sflag:s9], $0x8000  }
0x17e: {  	[sflag:s9] =	ssyncset.done $0x0  }
0x17f: {  	s0 =	rddreg [dreg:$0xf];
	[sflag:s9] =	ssyncadd.s32 $0xFFFF8000  }
0x180: {  	[hbm4b:s0+s2] =	stream.linear.scatter [tilespmem:s4], [sflag:$0x4], $0x8000, $0x38;
	[tilespmem:$0x1B400] =	vst v63  }
0x181: {  	_ =	swait.ge [sflag:s5], $0x8000  }
0x182: {  	[sflag:s5] =	ssyncset.done $0x0  }
0x183: {  	[sflag:s5] =	ssyncadd.s32 $0xFFFF8000  }
0x184: {  	[tilespmem:s4], [sflag:$0x1] =	stream.indirect.gather [hbm4b:s6+s8], $0x40, s24, s8, $0xb8;
	[tilespmem:$0x1B400] =	vst v63  }
0x185: {  	_ =	swait.ge [sflag:s11], $0x8000  }
0x186: {  	[sflag:s11] =	ssyncset.done $0x0  }
0x187: {  	s0 =	rddreg [dreg:$0x10];
	[sflag:s11] =	ssyncadd.s32 $0xFFFF8000  }
0x188: {  	[hbm4b:s0+s2] =	stream.linear.scatter [tilespmem:s3], [sflag:$0x5], $0x8000, $0x38;
	[tilespmem:$0x1B400] =	vst v63  }
0x189: {  	_ =	swait.ge [sflag:s7], $0x8000  }
0x18a: {  	[sflag:s7] =	ssyncset.done $0x0  }
0x18b: {  	[sflag:s7] =	ssyncadd.s32 $0xFFFF8000  }
0x18c: {  	[tilespmem:s3], [sflag:$0x2] =	stream.indirect.gather [hbm4b:s6+s8], $0x40, s23, s8, $0xb8;
	[tilespmem:$0x1B400] =	vst v63  }
0x18d: {  	_ =	swait.ge [sflag:s13], $0x8000  }
0x18e: {  	[sflag:s13] =	ssyncset.done $0x0  }
0x18f: {  	s0 =	rddreg [dreg:$0x11];
	[sflag:s13] =	ssyncadd.s32 $0xFFFF8000  }
0x190: {  	[hbm4b:s0+s2] =	stream.linear.scatter [tilespmem:s10], [sflag:$0x6], $0x8000, $0x38;
	[tilespmem:$0x1B400] =	vst v63  }
0x191: {  	_ =	swait.ge [sflag:s12], $0x8000  }
0x192: {  	[sflag:s12] =	ssyncset.done $0x0  }
0x193: {  	[sflag:s12] =	ssyncadd.s32 $0xFFFF8000  }
0x194: {  	[tilespmem:s10], [sflag:$0x3] =	stream.indirect.gather [hbm4b:s6+s8], $0x40, s22, s8, $0xb8;
	[tilespmem:$0x1B400] =	vst v63  }
0x195: {  	_ =	swait.ge [sflag:s9], $0x8000  }
0x196: {  	[sflag:s9] =	ssyncset.done $0x0  }
0x197: {  	s0 =	rddreg [dreg:$0x12];
	[sflag:s9] =	ssyncadd.s32 $0xFFFF8000  }
0x198: {  	[hbm4b:s0+s2] =	stream.linear.scatter [tilespmem:s4], [sflag:$0x4], $0x8000, $0x38;
	[tilespmem:$0x1B400] =	vst v63  }
0x199: {  	_ =	swait.ge [sflag:s5], $0x8000  }
0x19a: {  	[sflag:s5] =	ssyncset.done $0x0  }
0x19b: {  	[sflag:s5] =	ssyncadd.s32 $0xFFFF8000  }
0x19c: {  	[tilespmem:s4], [sflag:$0x1] =	stream.indirect.gather [hbm4b:s6+s8], $0x40, s21, s8, $0xb8;
	[tilespmem:$0x1B400] =	vst v63  }
0x19d: {  	_ =	swait.ge [sflag:s11], $0x8000  }
0x19e: {  	[sflag:s11] =	ssyncset.done $0x0  }
0x19f: {  	s0 =	rddreg [dreg:$0x13];
	[sflag:s11] =	ssyncadd.s32 $0xFFFF8000  }
0x1a0: {  	[hbm4b:s0+s2] =	stream.linear.scatter [tilespmem:s3], [sflag:$0x5], $0x8000, $0x38;
	[tilespmem:$0x1B400] =	vst v63  }
0x1a1: {  	_ =	swait.ge [sflag:s7], $0x8000  }
0x1a2: {  	[sflag:s7] =	ssyncset.done $0x0  }
0x1a3: {  	[sflag:s7] =	ssyncadd.s32 $0xFFFF8000  }
0x1a4: {  	[tilespmem:s3], [sflag:$0x2] =	stream.indirect.gather [hbm4b:s6+s8], $0x40, s20, s8, $0xb8;
	[tilespmem:$0x1B400] =	vst v63  }
0x1a5: {  	_ =	swait.ge [sflag:s13], $0x8000  }
0x1a6: {  	[sflag:s13] =	ssyncset.done $0x0  }
0x1a7: {  	s0 =	rddreg [dreg:$0x14];
	[sflag:s13] =	ssyncadd.s32 $0xFFFF8000  }
0x1a8: {  	[hbm4b:s0+s2] =	stream.linear.scatter [tilespmem:s10], [sflag:$0x6], $0x8000, $0x38;
	[tilespmem:$0x1B400] =	vst v63  }
0x1a9: {  	_ =	swait.ge [sflag:s12], $0x8000  }
0x1aa: {  	[sflag:s12] =	ssyncset.done $0x0  }
0x1ab: {  	[sflag:s12] =	ssyncadd.s32 $0xFFFF8000  }
0x1ac: {  	[tilespmem:s10], [sflag:$0x3] =	stream.indirect.gather [hbm4b:s6+s8], $0x40, s19, s8, $0xb8;
	[tilespmem:$0x1B400] =	vst v63  }
0x1ad: {  	_ =	swait.ge [sflag:s9], $0x8000  }
0x1ae: {  	[sflag:s9] =	ssyncset.done $0x0  }
0x1af: {  	s0 =	rddreg [dreg:$0x15];
	[sflag:s9] =	ssyncadd.s32 $0xFFFF8000  }
0x1b0: {  	[hbm4b:s0+s2] =	stream.linear.scatter [tilespmem:s4], [sflag:$0x4], $0x8000, $0x38;
	[tilespmem:$0x1B400] =	vst v63  }
0x1b1: {  	_ =	swait.ge [sflag:s5], $0x8000  }
0x1b2: {  	[sflag:s5] =	ssyncset.done $0x0  }
0x1b3: {  	[sflag:s5] =	ssyncadd.s32 $0xFFFF8000  }
0x1b4: {  	[tilespmem:s4], [sflag:$0x1] =	stream.indirect.gather [hbm4b:s6+s8], $0x40, s18, s8, $0xb8;
	[tilespmem:$0x1B400] =	vst v63  }
0x1b5: {  	_ =	swait.ge [sflag:s11], $0x8000  }
0x1b6: {  	[sflag:s11] =	ssyncset.done $0x0  }
0x1b7: {  	s0 =	rddreg [dreg:$0x16];
	[sflag:s11] =	ssyncadd.s32 $0xFFFF8000  }
0x1b8: {  	[hbm4b:s0+s2] =	stream.linear.scatter [tilespmem:s3], [sflag:$0x5], $0x8000, $0x38;
	[tilespmem:$0x1B400] =	vst v63  }
0x1b9: {  	_ =	swait.ge [sflag:s7], $0x8000  }
0x1ba: {  	[sflag:s7] =	ssyncset.done $0x0  }
0x1bb: {  	[sflag:s7] =	ssyncadd.s32 $0xFFFF8000  }
0x1bc: {  	[tilespmem:s3], [sflag:$0x2] =	stream.indirect.gather [hbm4b:s6+s8], $0x40, s17, s8, $0xb8;
	[tilespmem:$0x1B400] =	vst v63  }
0x1bd: {  	_ =	swait.ge [sflag:s13], $0x8000  }
0x1be: {  	[sflag:s13] =	ssyncset.done $0x0  }
0x1bf: {  	s0 =	rddreg [dreg:$0x17];
	[sflag:s13] =	ssyncadd.s32 $0xFFFF8000  }
0x1c0: {  	[hbm4b:s0+s2] =	stream.linear.scatter [tilespmem:s10], [sflag:$0x6], $0x8000, $0x38;
	[tilespmem:$0x1B400] =	vst v63  }
0x1c1: {  	_ =	swait.ge [sflag:s12], $0x8000  }
0x1c2: {  	[sflag:s12] =	ssyncset.done $0x0  }
0x1c3: {  	[sflag:s12] =	ssyncadd.s32 $0xFFFF8000  }
0x1c4: {  	[tilespmem:s10], [sflag:$0x3] =	stream.indirect.gather [hbm4b:s6+s8], $0x40, s16, s8, $0xb8;
	[tilespmem:$0x1B400] =	vst v63  }
0x1c5: {  	_ =	swait.ge [sflag:s9], $0x8000  }
0x1c6: {  	[sflag:s9] =	ssyncset.done $0x0  }
0x1c7: {  	s0 =	rddreg [dreg:$0x18];
	[sflag:s9] =	ssyncadd.s32 $0xFFFF8000  }
0x1c8: {  	[hbm4b:s0+s2] =	stream.linear.scatter [tilespmem:s4], [sflag:$0x4], $0x8000, $0x38;
	[tilespmem:$0x1B400] =	vst v63  }
0x1c9: {  	_ =	swait.ge [sflag:s5], $0x8000  }
0x1ca: {  	[sflag:s5] =	ssyncset.done $0x0  }
0x1cb: {  	[sflag:s5] =	ssyncadd.s32 $0xFFFF8000  }
0x1cc: {  	[tilespmem:s4], [sflag:$0x1] =	stream.indirect.gather [hbm4b:s6+s8], $0x40, s15, s8, $0xb8;
	[tilespmem:$0x1B400] =	vst v63  }
0x1cd: {  	_ =	swait.ge [sflag:s11], $0x8000  }
0x1ce: {  	[sflag:s11] =	ssyncset.done $0x0  }
0x1cf: {  	s0 =	rddreg [dreg:$0x19];
	[sflag:s11] =	ssyncadd.s32 $0xFFFF8000  }
0x1d0: {  	[hbm4b:s0+s2] =	stream.linear.scatter [tilespmem:s3], [sflag:$0x5], $0x8000, $0x38;
	[tilespmem:$0x1B400] =	vst v63  }
0x1d1: {  	_ =	swait.ge [sflag:s7], $0x8000  }
0x1d2: {  	[sflag:s7] =	ssyncset.done $0x0  }
0x1d3: {  	[sflag:s7] =	ssyncadd.s32 $0xFFFF8000  }
0x1d4: {  	[tilespmem:s3], [sflag:$0x2] =	stream.indirect.gather [hbm4b:s6+s8], $0x40, s14, s8, $0xb8;
	[tilespmem:$0x1B400] =	vst v63  }
0x1d5: {  	_ =	swait.ge [sflag:s13], $0x8000  }
0x1d6: {  	[sflag:s13] =	ssyncset.done $0x0  }
0x1d7: {  	s0 =	rddreg [dreg:$0x1a];
	[sflag:s13] =	ssyncadd.s32 $0xFFFF8000  }
0x1d8: {  	[hbm4b:s0+s2] =	stream.linear.scatter [tilespmem:s10], [sflag:$0x6], $0x8000, $0x38;
	[tilespmem:$0x1B400] =	vst v63  }
0x1d9: {  	_ =	swait.ge [sflag:s9], $0x8000  }
0x1da: {  	[sflag:s9] =	ssyncset.done $0x0  }
0x1db: {  	s0 =	rddreg [dreg:$0x1b];
	[sflag:s9] =	ssyncadd.s32 $0xFFFF8000  }
0x1dc: {  	[hbm4b:s0+s2] =	stream.linear.scatter [tilespmem:s4], [sflag:$0x4], $0x8000, $0x38;
	[tilespmem:$0x1B400] =	vst v63  }
0x1dd: {  	_ =	swait.ge [sflag:s11], $0x8000  }
0x1de: {  	[sflag:s11] =	ssyncset.done $0x0  }
0x1df: {  	s0 =	rddreg [dreg:$0x1c];
	[sflag:s11] =	ssyncadd.s32 $0xFFFF8000  }
0x1e0: {  	[hbm4b:s0+s2] =	stream.linear.scatter [tilespmem:s3], [sflag:$0x5], $0x8000, $0x38;
	[tilespmem:$0x1B400] =	vst v63  }
0x1e1: {  	_ =	swait.ge [sflag:s12], $0x8000  }
0x1e2: {  	[sflag:s12] =	ssyncset.done $0x0  }
0x1e3: {  	p1 =	sne.s32 s1, $0x1;
	[sflag:s12] =	ssyncadd.s32 $0xFFFF8000  }
.Ltmp2:
0x1e4: {  	_ =	swait.ge [sflag:s5], $0x8000;
	(pc) =	sbr.rel @p1 .LBB2_2-.Ltmp2, $4  }
0x1e5: {  	[sflag:s5] =	ssyncset.done $0x0  }
0x1e6: {  	[sflag:s5] =	ssyncadd.s32 $0xFFFF8000  }
0x1e7: {  	_ =	swait.ge [sflag:s7], $0x8000  }
0x1e8: {  	s1 =	sadd.s32 $0xFFFFFFFF, s1;
	s0 =	rddreg [dreg:$0x3];
	[sflag:s7] =	ssyncset.done $0x0  }
.LBB2_3:
0x1e9: {  	[sflag:s7] =	ssyncadd.s32 @p0 $0xFFFF8000  }
0x1ea: {  	[tilespmem:s2], [sflag:$0x7] =	stream.linear.gather [hbm4b:s0+s2], $0x3400, $0x38;
	[tilespmem:$0x1B400] =	vst v63  }
0x1eb: {  	_ =	swait.ge [sflag:s31], $0x3400  }
0x1ec: {  	[sflag:s31] =	ssyncset.done $0x0  }
0x1ed: {  	[sflag:s31] =	ssyncadd.s32 $0xFFFFCC00  }
0x1ee: {  	[tilespmem:s4], [sflag:$0x1] =	stream.indirect.gather [hbm4b:s6+s8], $0x40, s2, s8, $0xb8;
	[tilespmem:$0x1B400] =	vst v63  }
0x1ef: {  	_ = 	snop  }
0x1f0: {  	[tilespmem:s3], [sflag:$0x2] =	stream.indirect.gather [hbm4b:s6+s8], $0x40, s8, s8, $0xb8;
	[tilespmem:$0x1B400] =	vst v63  }
0x1f1: {  	s1 =	rddreg [dreg:$0x1d]  }
0x1f2: {  	[tilespmem:s10], [sflag:$0x3] =	stream.indirect.gather [hbm4b:s6+s8], $0x40, s1, s8, $0xb8;
	[tilespmem:$0x1B400] =	vst v63  }
0x1f3: {  	_ =	swait.ge [sflag:s9], $0x8000  }
0x1f4: {  	[sflag:s9] =	ssyncset.done $0x0  }
0x1f5: {  	[sflag:s9] =	ssyncadd.s32 $0xFFFF8000  }
0x1f6: {  	[hbm4b:s29+s2] =	stream.linear.scatter [tilespmem:s4], [sflag:$0x4], $0x8000, $0x38;
	[tilespmem:$0x1B400] =	vst v63  }
0x1f7: {  	_ =	swait.ge [sflag:s5], $0x8000  }
0x1f8: {  	[sflag:s5] =	ssyncset.done $0x0  }
0x1f9: {  	s29 =	rddreg [dreg:$0x1e];
	[sflag:s5] =	ssyncadd.s32 $0xFFFF8000  }
0x1fa: {  	[tilespmem:s4], [sflag:$0x1] =	stream.indirect.gather [hbm4b:s6+s8], $0x40, s29, s8, $0xb8;
	[tilespmem:$0x1B400] =	vst v63  }
0x1fb: {  	_ =	swait.ge [sflag:s11], $0x8000  }
0x1fc: {  	[sflag:s11] =	ssyncset.done $0x0  }
0x1fd: {  	s31 =	rddreg [dreg:$0x4];
	[sflag:s11] =	ssyncadd.s32 $0xFFFF8000  }
0x1fe: {  	[hbm4b:s31+s2] =	stream.linear.scatter [tilespmem:s3], [sflag:$0x5], $0x8000, $0x38;
	[tilespmem:$0x1B400] =	vst v63  }
0x1ff: {  	_ =	swait.ge [sflag:s7], $0x8000  }
0x200: {  	[sflag:s7] =	ssyncset.done $0x0  }
0x201: {  	s1 =	rddreg [dreg:$0x1f];
	[sflag:s7] =	ssyncadd.s32 $0xFFFF8000  }
0x202: {  	[tilespmem:s3], [sflag:$0x2] =	stream.indirect.gather [hbm4b:s6+s8], $0x40, s1, s8, $0xb8;
	[tilespmem:$0x1B400] =	vst v63  }
0x203: {  	_ =	swait.ge [sflag:s13], $0x8000  }
0x204: {  	[sflag:s13] =	ssyncset.done $0x0  }
0x205: {  	s29 =	rddreg [dreg:$0x5];
	[sflag:s13] =	ssyncadd.s32 $0xFFFF8000  }
0x206: {  	[hbm4b:s29+s2] =	stream.linear.scatter [tilespmem:s10], [sflag:$0x6], $0x8000, $0x38;
	[tilespmem:$0x1B400] =	vst v63  }
0x207: {  	_ =	swait.ge [sflag:s12], $0x8000  }
0x208: {  	s31 =	sld [smem:$0x7F8]  }
0x209: {  	[sflag:s12] =	ssyncset.done $0x0  }
0x20a: {  	[sflag:s12] =	ssyncadd.s32 $0xFFFF8000  }
0x20b: {  	[tilespmem:s10], [sflag:$0x3] =	stream.indirect.gather [hbm4b:s6+s8], $0x40, s31, s8, $0xb8;
	[tilespmem:$0x1B400] =	vst v63  }
0x20c: {  	_ =	swait.ge [sflag:s9], $0x8000  }
0x20d: {  	[sflag:s9] =	ssyncset.done $0x0  }
0x20e: {  	s1 =	rddreg [dreg:$0x6];
	[sflag:s9] =	ssyncadd.s32 $0xFFFF8000  }
0x20f: {  	[hbm4b:s1+s2] =	stream.linear.scatter [tilespmem:s4], [sflag:$0x4], $0x8000, $0x38;
	[tilespmem:$0x1B400] =	vst v63  }
0x210: {  	_ =	swait.ge [sflag:s5], $0x8000  }
0x211: {  	s29 =	sld [smem:$0x7F9]  }
0x212: {  	[sflag:s5] =	ssyncset.done $0x0  }
0x213: {  	[sflag:s5] =	ssyncadd.s32 $0xFFFF8000  }
0x214: {  	[tilespmem:s4], [sflag:$0x1] =	stream.indirect.gather [hbm4b:s6+s8], $0x40, s29, s8, $0xb8;
	[tilespmem:$0x1B400] =	vst v63  }
0x215: {  	_ =	swait.ge [sflag:s11], $0x8000  }
0x216: {  	[sflag:s11] =	ssyncset.done $0x0  }
0x217: {  	s31 =	rddreg [dreg:$0x7];
	[sflag:s11] =	ssyncadd.s32 $0xFFFF8000  }
0x218: {  	[hbm4b:s31+s2] =	stream.linear.scatter [tilespmem:s3], [sflag:$0x5], $0x8000, $0x38;
	[tilespmem:$0x1B400] =	vst v63  }
0x219: {  	_ =	swait.ge [sflag:s7], $0x8000  }
0x21a: {  	s1 =	sld [smem:$0x7FA]  }
0x21b: {  	[sflag:s7] =	ssyncset.done $0x0  }
0x21c: {  	[sflag:s7] =	ssyncadd.s32 $0xFFFF8000  }
0x21d: {  	[tilespmem:s3], [sflag:$0x2] =	stream.indirect.gather [hbm4b:s6+s8], $0x40, s1, s8, $0xb8;
	[tilespmem:$0x1B400] =	vst v63  }
0x21e: {  	_ =	swait.ge [sflag:s13], $0x8000  }
0x21f: {  	[sflag:s13] =	ssyncset.done $0x0  }
0x220: {  	s29 =	rddreg [dreg:$0x8];
	[sflag:s13] =	ssyncadd.s32 $0xFFFF8000  }
0x221: {  	[hbm4b:s29+s2] =	stream.linear.scatter [tilespmem:s10], [sflag:$0x6], $0x8000, $0x38;
	[tilespmem:$0x1B400] =	vst v63  }
0x222: {  	_ =	swait.ge [sflag:s12], $0x8000  }
0x223: {  	s31 =	sld [smem:$0x7FB]  }
0x224: {  	[sflag:s12] =	ssyncset.done $0x0  }
0x225: {  	[sflag:s12] =	ssyncadd.s32 $0xFFFF8000  }
0x226: {  	[tilespmem:s10], [sflag:$0x3] =	stream.indirect.gather [hbm4b:s6+s8], $0x40, s31, s8, $0xb8;
	[tilespmem:$0x1B400] =	vst v63  }
0x227: {  	_ =	swait.ge [sflag:s9], $0x8000  }
0x228: {  	[sflag:s9] =	ssyncset.done $0x0  }
0x229: {  	s1 =	rddreg [dreg:$0x9];
	[sflag:s9] =	ssyncadd.s32 $0xFFFF8000  }
0x22a: {  	[hbm4b:s1+s2] =	stream.linear.scatter [tilespmem:s4], [sflag:$0x4], $0x8000, $0x38;
	[tilespmem:$0x1B400] =	vst v63  }
0x22b: {  	_ =	swait.ge [sflag:s5], $0x8000  }
0x22c: {  	s29 =	sld [smem:$0x7FC]  }
0x22d: {  	[sflag:s5] =	ssyncset.done $0x0  }
0x22e: {  	[sflag:s5] =	ssyncadd.s32 $0xFFFF8000  }
0x22f: {  	[tilespmem:s4], [sflag:$0x1] =	stream.indirect.gather [hbm4b:s6+s8], $0x40, s29, s8, $0xb8;
	[tilespmem:$0x1B400] =	vst v63  }
0x230: {  	_ =	swait.ge [sflag:s11], $0x8000  }
0x231: {  	[sflag:s11] =	ssyncset.done $0x0  }
0x232: {  	s31 =	rddreg [dreg:$0xa];
	[sflag:s11] =	ssyncadd.s32 $0xFFFF8000  }
0x233: {  	[hbm4b:s31+s2] =	stream.linear.scatter [tilespmem:s3], [sflag:$0x5], $0x8000, $0x38;
	[tilespmem:$0x1B400] =	vst v63  }
0x234: {  	_ =	swait.ge [sflag:s7], $0x8000  }
0x235: {  	s1 =	sld [smem:$0x7FD]  }
0x236: {  	[sflag:s7] =	ssyncset.done $0x0  }
0x237: {  	[sflag:s7] =	ssyncadd.s32 $0xFFFF8000  }
0x238: {  	[tilespmem:s3], [sflag:$0x2] =	stream.indirect.gather [hbm4b:s6+s8], $0x40, s1, s8, $0xb8;
	[tilespmem:$0x1B400] =	vst v63  }
0x239: {  	_ =	swait.ge [sflag:s13], $0x8000  }
0x23a: {  	[sflag:s13] =	ssyncset.done $0x0  }
0x23b: {  	s29 =	rddreg [dreg:$0xb];
	[sflag:s13] =	ssyncadd.s32 $0xFFFF8000  }
0x23c: {  	[hbm4b:s29+s2] =	stream.linear.scatter [tilespmem:s10], [sflag:$0x6], $0x8000, $0x38;
	[tilespmem:$0x1B400] =	vst v63  }
0x23d: {  	_ =	swait.ge [sflag:s12], $0x8000  }
0x23e: {  	[sflag:s12] =	ssyncset.done $0x0  }
0x23f: {  	[sflag:s12] =	ssyncadd.s32 $0xFFFF8000  }
0x240: {  	[tilespmem:s10], [sflag:$0x3] =	stream.indirect.gather [hbm4b:s6+s8], $0x40, s30, s8, $0xb8;
	[tilespmem:$0x1B400] =	vst v63  }
0x241: {  	_ =	swait.ge [sflag:s9], $0x8000  }
0x242: {  	[sflag:s9] =	ssyncset.done $0x0  }
0x243: {  	s31 =	rddreg [dreg:$0xc];
	[sflag:s9] =	ssyncadd.s32 $0xFFFF8000  }
0x244: {  	[hbm4b:s31+s2] =	stream.linear.scatter [tilespmem:s4], [sflag:$0x4], $0x8000, $0x38;
	[tilespmem:$0x1B400] =	vst v63  }
0x245: {  	_ =	swait.ge [sflag:s5], $0x8000  }
0x246: {  	[sflag:s5] =	ssyncset.done $0x0  }
0x247: {  	[sflag:s5] =	ssyncadd.s32 $0xFFFF8000  }
0x248: {  	[tilespmem:s4], [sflag:$0x1] =	stream.indirect.gather [hbm4b:s6+s8], $0x40, s28, s8, $0xb8;
	[tilespmem:$0x1B400] =	vst v63  }
0x249: {  	_ =	swait.ge [sflag:s11], $0x8000  }
0x24a: {  	[sflag:s11] =	ssyncset.done $0x0  }
0x24b: {  	s1 =	rddreg [dreg:$0xd];
	[sflag:s11] =	ssyncadd.s32 $0xFFFF8000  }
0x24c: {  	[hbm4b:s1+s2] =	stream.linear.scatter [tilespmem:s3], [sflag:$0x5], $0x8000, $0x38;
	[tilespmem:$0x1B400] =	vst v63  }
0x24d: {  	_ =	swait.ge [sflag:s7], $0x8000  }
0x24e: {  	[sflag:s7] =	ssyncset.done $0x0  }
0x24f: {  	[sflag:s7] =	ssyncadd.s32 $0xFFFF8000  }
0x250: {  	[tilespmem:s3], [sflag:$0x2] =	stream.indirect.gather [hbm4b:s6+s8], $0x40, s26, s8, $0xb8;
	[tilespmem:$0x1B400] =	vst v63  }
0x251: {  	_ =	swait.ge [sflag:s13], $0x8000  }
0x252: {  	[sflag:s13] =	ssyncset.done $0x0  }
0x253: {  	s26 =	rddreg [dreg:$0xe];
	[sflag:s13] =	ssyncadd.s32 $0xFFFF8000  }
0x254: {  	[hbm4b:s26+s2] =	stream.linear.scatter [tilespmem:s10], [sflag:$0x6], $0x8000, $0x38;
	[tilespmem:$0x1B400] =	vst v63  }
0x255: {  	_ =	swait.ge [sflag:s12], $0x8000  }
0x256: {  	[sflag:s12] =	ssyncset.done $0x0  }
0x257: {  	[sflag:s12] =	ssyncadd.s32 $0xFFFF8000  }
0x258: {  	[tilespmem:s10], [sflag:$0x3] =	stream.indirect.gather [hbm4b:s6+s8], $0x40, s25, s8, $0xb8;
	[tilespmem:$0x1B400] =	vst v63  }
0x259: {  	_ =	swait.ge [sflag:s9], $0x8000  }
0x25a: {  	[sflag:s9] =	ssyncset.done $0x0  }
0x25b: {  	s28 =	rddreg [dreg:$0xf];
	[sflag:s9] =	ssyncadd.s32 $0xFFFF8000  }
0x25c: {  	[hbm4b:s28+s2] =	stream.linear.scatter [tilespmem:s4], [sflag:$0x4], $0x8000, $0x38;
	[tilespmem:$0x1B400] =	vst v63  }
0x25d: {  	_ =	swait.ge [sflag:s5], $0x8000  }
0x25e: {  	[sflag:s5] =	ssyncset.done $0x0  }
0x25f: {  	[sflag:s5] =	ssyncadd.s32 $0xFFFF8000  }
0x260: {  	[tilespmem:s4], [sflag:$0x1] =	stream.indirect.gather [hbm4b:s6+s8], $0x40, s24, s8, $0xb8;
	[tilespmem:$0x1B400] =	vst v63  }
0x261: {  	_ =	swait.ge [sflag:s11], $0x8000  }
0x262: {  	[sflag:s11] =	ssyncset.done $0x0  }
0x263: {  	s29 =	rddreg [dreg:$0x10];
	[sflag:s11] =	ssyncadd.s32 $0xFFFF8000  }
0x264: {  	[hbm4b:s29+s2] =	stream.linear.scatter [tilespmem:s3], [sflag:$0x5], $0x8000, $0x38;
	[tilespmem:$0x1B400] =	vst v63  }
0x265: {  	_ =	swait.ge [sflag:s7], $0x8000  }
0x266: {  	[sflag:s7] =	ssyncset.done $0x0  }
0x267: {  	[sflag:s7] =	ssyncadd.s32 $0xFFFF8000  }
0x268: {  	[tilespmem:s3], [sflag:$0x2] =	stream.indirect.gather [hbm4b:s6+s8], $0x40, s23, s8, $0xb8;
	[tilespmem:$0x1B400] =	vst v63  }
0x269: {  	_ =	swait.ge [sflag:s13], $0x8000  }
0x26a: {  	[sflag:s13] =	ssyncset.done $0x0  }
0x26b: {  	s30 =	rddreg [dreg:$0x11];
	[sflag:s13] =	ssyncadd.s32 $0xFFFF8000  }
0x26c: {  	[hbm4b:s30+s2] =	stream.linear.scatter [tilespmem:s10], [sflag:$0x6], $0x8000, $0x38;
	[tilespmem:$0x1B400] =	vst v63  }
0x26d: {  	_ =	swait.ge [sflag:s12], $0x8000  }
0x26e: {  	[sflag:s12] =	ssyncset.done $0x0  }
0x26f: {  	[sflag:s12] =	ssyncadd.s32 $0xFFFF8000  }
0x270: {  	[tilespmem:s10], [sflag:$0x3] =	stream.indirect.gather [hbm4b:s6+s8], $0x40, s22, s8, $0xb8;
	[tilespmem:$0x1B400] =	vst v63  }
0x271: {  	_ =	swait.ge [sflag:s9], $0x8000  }
0x272: {  	[sflag:s9] =	ssyncset.done $0x0  }
0x273: {  	s31 =	rddreg [dreg:$0x12];
	[sflag:s9] =	ssyncadd.s32 $0xFFFF8000  }
0x274: {  	[hbm4b:s31+s2] =	stream.linear.scatter [tilespmem:s4], [sflag:$0x4], $0x8000, $0x38;
	[tilespmem:$0x1B400] =	vst v63  }
0x275: {  	_ =	swait.ge [sflag:s5], $0x8000  }
0x276: {  	[sflag:s5] =	ssyncset.done $0x0  }
0x277: {  	[sflag:s5] =	ssyncadd.s32 $0xFFFF8000  }
0x278: {  	[tilespmem:s4], [sflag:$0x1] =	stream.indirect.gather [hbm4b:s6+s8], $0x40, s21, s8, $0xb8;
	[tilespmem:$0x1B400] =	vst v63  }
0x279: {  	_ =	swait.ge [sflag:s11], $0x8000  }
0x27a: {  	[sflag:s11] =	ssyncset.done $0x0  }
0x27b: {  	s1 =	rddreg [dreg:$0x13];
	[sflag:s11] =	ssyncadd.s32 $0xFFFF8000  }
0x27c: {  	[hbm4b:s1+s2] =	stream.linear.scatter [tilespmem:s3], [sflag:$0x5], $0x8000, $0x38;
	[tilespmem:$0x1B400] =	vst v63  }
0x27d: {  	_ =	swait.ge [sflag:s7], $0x8000  }
0x27e: {  	[sflag:s7] =	ssyncset.done $0x0  }
0x27f: {  	[sflag:s7] =	ssyncadd.s32 $0xFFFF8000  }
0x280: {  	[tilespmem:s3], [sflag:$0x2] =	stream.indirect.gather [hbm4b:s6+s8], $0x40, s20, s8, $0xb8;
	[tilespmem:$0x1B400] =	vst v63  }
0x281: {  	_ =	swait.ge [sflag:s13], $0x8000  }
0x282: {  	[sflag:s13] =	ssyncset.done $0x0  }
0x283: {  	s21 =	rddreg [dreg:$0x14];
	[sflag:s13] =	ssyncadd.s32 $0xFFFF8000  }
0x284: {  	[hbm4b:s21+s2] =	stream.linear.scatter [tilespmem:s10], [sflag:$0x6], $0x8000, $0x38;
	[tilespmem:$0x1B400] =	vst v63  }
0x285: {  	_ =	swait.ge [sflag:s12], $0x8000  }
0x286: {  	[sflag:s12] =	ssyncset.done $0x0  }
0x287: {  	[sflag:s12] =	ssyncadd.s32 $0xFFFF8000  }
0x288: {  	[tilespmem:s10], [sflag:$0x3] =	stream.indirect.gather [hbm4b:s6+s8], $0x40, s19, s8, $0xb8;
	[tilespmem:$0x1B400] =	vst v63  }
0x289: {  	_ =	swait.ge [sflag:s9], $0x8000  }
0x28a: {  	[sflag:s9] =	ssyncset.done $0x0  }
0x28b: {  	s22 =	rddreg [dreg:$0x15];
	[sflag:s9] =	ssyncadd.s32 $0xFFFF8000  }
0x28c: {  	[hbm4b:s22+s2] =	stream.linear.scatter [tilespmem:s4], [sflag:$0x4], $0x8000, $0x38;
	[tilespmem:$0x1B400] =	vst v63  }
0x28d: {  	_ =	swait.ge [sflag:s5], $0x8000  }
0x28e: {  	[sflag:s5] =	ssyncset.done $0x0  }
0x28f: {  	[sflag:s5] =	ssyncadd.s32 $0xFFFF8000  }
0x290: {  	[tilespmem:s4], [sflag:$0x1] =	stream.indirect.gather [hbm4b:s6+s8], $0x40, s18, s8, $0xb8;
	[tilespmem:$0x1B400] =	vst v63  }
0x291: {  	_ =	swait.ge [sflag:s11], $0x8000  }
0x292: {  	[sflag:s11] =	ssyncset.done $0x0  }
0x293: {  	s23 =	rddreg [dreg:$0x16];
	[sflag:s11] =	ssyncadd.s32 $0xFFFF8000  }
0x294: {  	[hbm4b:s23+s2] =	stream.linear.scatter [tilespmem:s3], [sflag:$0x5], $0x8000, $0x38;
	[tilespmem:$0x1B400] =	vst v63  }
0x295: {  	_ =	swait.ge [sflag:s7], $0x8000  }
0x296: {  	[sflag:s7] =	ssyncset.done $0x0  }
0x297: {  	[sflag:s7] =	ssyncadd.s32 $0xFFFF8000  }
0x298: {  	[tilespmem:s3], [sflag:$0x2] =	stream.indirect.gather [hbm4b:s6+s8], $0x40, s17, s8, $0xb8;
	[tilespmem:$0x1B400] =	vst v63  }
0x299: {  	_ =	swait.ge [sflag:s13], $0x8000  }
0x29a: {  	[sflag:s13] =	ssyncset.done $0x0  }
0x29b: {  	s24 =	rddreg [dreg:$0x17];
	[sflag:s13] =	ssyncadd.s32 $0xFFFF8000  }
0x29c: {  	[hbm4b:s24+s2] =	stream.linear.scatter [tilespmem:s10], [sflag:$0x6], $0x8000, $0x38;
	[tilespmem:$0x1B400] =	vst v63  }
0x29d: {  	_ =	swait.ge [sflag:s12], $0x8000  }
0x29e: {  	[sflag:s12] =	ssyncset.done $0x0  }
0x29f: {  	[sflag:s12] =	ssyncadd.s32 $0xFFFF8000  }
0x2a0: {  	[tilespmem:s10], [sflag:$0x3] =	stream.indirect.gather [hbm4b:s6+s8], $0x40, s16, s8, $0xb8;
	[tilespmem:$0x1B400] =	vst v63  }
0x2a1: {  	_ =	swait.ge [sflag:s9], $0x8000  }
0x2a2: {  	[sflag:s9] =	ssyncset.done $0x0  }
0x2a3: {  	s25 =	rddreg [dreg:$0x18];
	[sflag:s9] =	ssyncadd.s32 $0xFFFF8000  }
0x2a4: {  	[hbm4b:s25+s2] =	stream.linear.scatter [tilespmem:s4], [sflag:$0x4], $0x8000, $0x38;
	[tilespmem:$0x1B400] =	vst v63  }
0x2a5: {  	_ =	swait.ge [sflag:s5], $0x8000  }
0x2a6: {  	[sflag:s5] =	ssyncset.done $0x0  }
0x2a7: {  	[sflag:s5] =	ssyncadd.s32 $0xFFFF8000  }
0x2a8: {  	[tilespmem:s4], [sflag:$0x1] =	stream.indirect.gather [hbm4b:s6+s8], $0x40, s15, s8, $0xb8;
	[tilespmem:$0x1B400] =	vst v63  }
0x2a9: {  	_ =	swait.ge [sflag:s11], $0x8000  }
0x2aa: {  	[sflag:s11] =	ssyncset.done $0x0  }
0x2ab: {  	s26 =	rddreg [dreg:$0x19];
	[sflag:s11] =	ssyncadd.s32 $0xFFFF8000  }
0x2ac: {  	[hbm4b:s26+s2] =	stream.linear.scatter [tilespmem:s3], [sflag:$0x5], $0x8000, $0x38;
	[tilespmem:$0x1B400] =	vst v63  }
0x2ad: {  	_ =	swait.ge [sflag:s7], $0x8000  }
0x2ae: {  	[sflag:s7] =	ssyncset.done $0x0  }
0x2af: {  	[sflag:s7] =	ssyncadd.s32 $0xFFFF8000  }
0x2b0: {  	[tilespmem:s3], [sflag:$0x2] =	stream.indirect.gather [hbm4b:s6+s8], $0x40, s14, s8, $0xb8;
	[tilespmem:$0x1B400] =	vst v63  }
0x2b1: {  	_ =	swait.ge [sflag:s13], $0x8000  }
0x2b2: {  	[sflag:s13] =	ssyncset.done $0x0  }
0x2b3: {  	s28 =	rddreg [dreg:$0x1a];
	[sflag:s13] =	ssyncadd.s32 $0xFFFF8000  }
0x2b4: {  	[hbm4b:s28+s2] =	stream.linear.scatter [tilespmem:s10], [sflag:$0x6], $0x8000, $0x38;
	[tilespmem:$0x1B400] =	vst v63  }
0x2b5: {  	_ =	swait.ge [sflag:s9], $0x8000  }
0x2b6: {  	[sflag:s9] =	ssyncset.done $0x0  }
0x2b7: {  	s29 =	rddreg [dreg:$0x1b];
	[sflag:s9] =	ssyncadd.s32 $0xFFFF8000  }
0x2b8: {  	[hbm4b:s29+s2] =	stream.linear.scatter [tilespmem:s4], [sflag:$0x4], $0x8000, $0x38;
	[tilespmem:$0x1B400] =	vst v63  }
0x2b9: {  	_ =	swait.ge [sflag:s11], $0x8000  }
0x2ba: {  	[sflag:s11] =	ssyncset.done $0x0  }
0x2bb: {  	s30 =	rddreg [dreg:$0x1c];
	[sflag:s11] =	ssyncadd.s32 $0xFFFF8000  }
0x2bc: {  	[hbm4b:s30+s2] =	stream.linear.scatter [tilespmem:s3], [sflag:$0x5], $0x8000, $0x38;
	[tilespmem:$0x1B400] =	vst v63  }
0x2bd: {  	_ =	swait.ge [sflag:s12], $0x8000  }
0x2be: {  	[sflag:s12] =	ssyncset.done $0x0  }
0x2bf: {  	[sflag:s12] =	ssyncadd.s32 $0xFFFF8000  }
0x2c0: {  	_ =	swait.ge [sflag:s5], $0x8000  }
0x2c1: {  	[sflag:s5] =	ssyncset.done $0x0  }
0x2c2: {  	[sflag:s5] =	ssyncadd.s32 $0xFFFF8000  }
0x2c3: {  	_ =	swait.ge [sflag:s7], $0x8000  }
0x2c4: {  	[sflag:s7] =	ssyncset.done $0x0  }
0x2c5: {  	[sflag:s7] =	ssyncadd.s32 $0xFFFF8000  }
0x2c6: {  	_ =	sfence.sel $0x180000  }
0x2c7: {  	[bflag:$0x0] =	sbarrier.arrive $0xFFFF  }
0x2c8: {  	_ =	strace $0x90000047  }
0x2c9: {  	s31 =	stileid.u32;
	[bflag:$0x2] =	sbarrier.arrive $0xFFFF  }
0x2ca: {  	p0 =	sne.s32 s31, $0x0;
	s0 =	rddreg [dreg:$0x2]  }
0x2cb: {  	s0 =	sadd.s32 @!p0 $0x100000, s0  }
0x2cc: {  	[sflag:s0] =	ssyncadd.tile.s32 @!p0 $0x1;
	_ =	shalt  }
.Lfunc_end2:
_tile_overlayer_lowered:
.L_overlay_start_2:
0x2cd: {  	(tag) =	ssettag $0x2  }
0x2ce: {  	s0 =	rddreg [dreg:$0x0];
	s2 =	stileid.u32  }
0x2cf: {  	s1 =	rddreg [dreg:$0x1];
	p0 =	sne.s32 s2, $0x0  }
0x2d0: {  	s3 =	rddreg [dreg:$0x2];
	[bflag:$0x3] =	sbarrier.arrive $0xFFFF;
	s2 =	simm.s32 @!p0 $0x1C07  }
0x2d1: {  	[timem:s3], [sflag:s2] =	dma.local @!p0 [hbm:s0], s1  }
0x2d2: {  	s0 =	simm.s32 @!p0 $0x7  }
0x2d3: {  	_ =	swait.ge @!p0 [sflag:s0], s1  }
0x2d4: {  	s1 =	ssub.s32 @!p0 $0x0, s1;
	[sflag:s0] =	ssyncset.done @!p0 $0x0  }
0x2d5: {  	[sflag:s0] =	ssyncadd.s32 @!p0 s1  }
0x2d6: {  	[bflag:$0x3] =	sbarrier.arrive $0xFFFF  }
0x2d7: {  	_ =	shalt  }

// kernel: sparse-core-data-format-call.cloned.1.call-start
scs
called_computation_lowered:
.L_overlay_start_0:
0x0: {  	s2 =	sld [smem:$0x3FD9]  }
0x1: {  	s3 =	sld [smem:$0x3FFE];
	_ =	sdelay $0x1  }
0x2: {  	s1 =	srdreg.scid  }
0x3: {  	s0 =	sand.u32 $0x1, s1  }
0x4: {  	s18 =	sshll.u32 s0, $0xA;
	s2 =	sadd.s32 s3, s2  }
0x5: {  	s2 =	sadd.s32 s2, s18  }
0x6: {  	[smem:$0x3FC6] =	sst s2  }
0x7: {  	_ = 	snop  }
0x8: {  	s2 =	sld [smem:$0x3FD0];
	(tm) =	ssettm $0x1  }
0x9: {  	s19 =	sld [smem:$0x3FFB];
	_ =	sdelay $0x3  }
0xa: {  	_ =	strace s19  }
0xb: {  	s3 =	sld [smem:$0x3FFC];
	_ =	sdelay $0x3  }
0xc: {  	_ =	strace s3  }
0xd: {  	s3 =	sld [smem:$0x3FFD];
	_ =	sdelay $0x3  }
0xe: {  	_ =	strace s3  }
0xf: {  	_ =	strace $0x8FFFFFFF  }
0x10: {  	s20 =	sld [smem:$0x3FDB];
	_ =	sdelay $0x1  }
0x11: {  	s4 =	simm.s32 $_scs_section_size  }
0x12: {  	s5 =	simm.s32 $_size__tile_overlayer_lowered;
	s6 =	simm.s32 $_tile_overlayer_lowered  }
0x13: {  	s23 =	simm.s32 $0x1BFF;
	s22 =	sshll.u32 s6, $0x1;
	s3 =	sadd.s32 s4, s20  }
0x14: {  	s7 =	simm.s32 $0x0;
	s21 =	sshll.u32 s5, $0x1;
	s5 =	sadd.s32 s22, s3  }
0x15: {  	[timem:s7], [sflag:s23] =	dma.local [hbm:s5], s21  }
0x16: {  	_ =	swait.ge [sflag:s23], s21  }
0x17: {  	s4 =	ssub.s32 $0x0, s21;
	[sflag:s23] =	ssyncset.done $0x0  }
0x18: {  	[sflag:s23] =	ssyncadd.s32 s4;
	_ =	sdelay $0x1  }
0x19: {  	s24 =	simm.s32 $0x1B8B  }
0x1a: {  	_ =	swait.ge [sflag:s24], $0x1  }
0x1b: {  	[sflag:s24] =	ssyncset.done $0x0  }
0x1c: {  	s26 =	simm.s32 $0x1B8E;
	s25 =	sld [smem:$0x3FFE];
	[sflag:s24] =	ssyncadd.s32 $0xFFFFFFFF  }
0x1d: {  	s27 =	simm.s32 $execute0_lowered;
	[smem:$0x3FD2] =	sst s26  }
0x1e: {  	s5 =	sshll.u32 s27, $0x1;
	_ =	strace $0x80000049;
	[dreg:$0x1] =	wrdreg $0xFFFFFFFF  }
0x1f: {  	s28 =	simm.s32 $_size_execute0_lowered;
	s3 =	sadd.s32 s3, s5;
	[dreg:$0x0] =	wrdreg $0x0  }
0x20: {  	s5 =	sshll.u32 s28, $0x1;
	[dreg:$0x2] =	wrdreg s3  }
0x21: {  	[dreg:$0x3] =	wrdreg s5  }
0x22: {  	[dreg:$0x4] =	wrdreg $0xC0  }
0x23: {  	_ =	task [dreg:s7], $0x5FFFF  }
0x24: {  	[dreg:$0x1] =	wrdreg $0xFFFFFFFF  }
0x25: {  	[dreg:$0x0] =	wrdreg $0x60  }
0x26: {  	[dreg:$0x2] =	wrdreg s25  }
0x27: {  	[dreg:$0x3] =	wrdreg s2  }
0x28: {  	[dreg:$0x4] =	wrdreg $0x9  }
0x29: {  	_ =	task.clear_ibuf [dreg:s7], $0x5FFFF;
	_ =	strace $0x90000049  }
0x2a: {  	s29 =	simm.s32 $0x9;
	_ =	strace $0x8000004B  }
0x2b: {  	_ =	swait.ge [sflag:s29], $0x1  }
0x2c: {  	[sflag:s29] =	ssyncadd.s32 $0xFFFFFFFF  }
0x2d: {  	_ =	strace $0x9000004B  }
0x2e: {  	_ =	sfence  }
0x2f: {  	s30 =	sld [smem:$0x0];
	_ =	sdelay $0x2  }
0x30: {  	s31 =	sshll.u32 s1, $0xD;
	s1 =	sshrl.u32 s1, $0x2  }
0x31: {  	s3 =	sand.u32 $0x4000, s31;
	s1 =	sadd.s32 s1, s30  }
0x32: {  	s0 =	sor.u32 s3, s0;
	s1 =	sshll.u32 s1, $0x11  }
0x33: {  	s0 =	sor.u32 s1, s0  }
0x34: {  	s0 =	sadd.s32 $0x8F2B, s0  }
0x35: {  	[sflag:s0] =	ssyncadd.remote.s32 $0x1  }
0x36: {  	_ =	sfence.sel $0xFFFF  }
0x37: {  	[dreg:$0x0] =	wrdreg $0xFFFFFFFF;
	(pc) =	sbr.abs _section_cstart, $3  }
0x38: {  	[dreg:$0x1] =	wrdreg $0xFFFFFFFF  }
0x39: {  	_ =	task.clear_ibuf [dreg:s7], $0x2FFFF;
	_ =	strace $0x9FFFFFFF  }
0x3a: {  	(tm) =	ssettm $0x7FFFFFFF  }
0x3b: {  	_ =	shalt  }
tec
execute0_lowered:
.L_overlay_start_1:
0x0: {  	(tag) =	ssettag $0x1  }
0x1: {  	s0 =	srdreg.scid  }
0x2: {  	s1 =	sshll.u32 s0, $0x4  }
0x3: {  	s0 =	stileid.u32;
	s1 =	sand.u32 $0x10, s1  }
0x4: {  	s1 =	sor.u32 s0, s1  }
0x5: {  	s6 =	rddreg [dreg:$0x0];
	s4 =	simm.s32 $0x1;
	s2 =	sshll.u32 s1, $0x7  }
0x6: {  	s7 =	simm.s32 $0x2;
	s12 =	simm.s32 $0x0;
	s1 =	ssub.s32 $0x4000, s2  }
0x7: {  	s8 =	simm.s32 $0x20000;
	s13 =	simm.s32 $0x0;
	s3 =	sand.u32 $0xF80, s1  }
0x8: {  	s9 =	simm.s32 $0x0;
	s5 =	sshrl.u32 s1, $0xC;
	p0 =	sne.s32 s3, $0x0  }
.Ltmp0:
0x9: {  	s1 =	rddreg [dreg:$0x2];
	s4 =	simm.s32 @!p0 $0x0;
	(pc) =	sbr.rel .LBB1_1-.Ltmp0, $4  }
0xa: {  	s11 =	simm.s32 $0x0;
	s3 =	rddreg [dreg:$0x1];
	s5 =	sadd.s32 s4, s5  }
0xb: {  	_ =	strace $0x8000004A;
	s4 =	simm.s32 $0x1;
	s5 =	smul.u32 $0x1A, s5  }
0xc: {  	s6 =	sadd.s32 $0xA00, s6;
	s10 =	smov.u32 s2;
	[sflag:s4] =	ssyncpa.u1 $0x0  }
0xd: {  	p0 =	por $0x0, $0x0;
	[sflag:s7] =	ssyncpa.u1 $0x0;
	s7 =	sor.u32 $0x1, s5  }
.LBB1_4:
0xe: {  	s16 =	sshll.u32 s13, $0x3;
	s17 =	sand.u32 $0x78, s13  }
0xf: {  	s30 =	sand.u32 $0x1F800, s13;
	s12 =	sshll.u32 s12, $0x11;
	s16 =	sand.u32 $0x3C00, s16  }
0x10: {  	[tilespmem:s15+$0x810 ss:$0x81] =	vst.msk $0xffff, v2;
	s31 =	sand.u32 $0x7, s13;
	s16 =	sor.u32 s17, s16;
	s17 =	sadd.s32 s3, s30  }
0x11: {  	[tilespmem:s15+$0x1020 ss:$0x81] =	vst.msk $0xffff, v0;
	s13 =	sshll.u32 s31, $0x12;
	s12 =	sadd.s32 s12, s17;
	s16 =	sshrl.u32 s16, $0x3  }
0x12: {  	[tilespmem:s15+$0x0 ss:$0x81] =	vst.msk $0xffff, v1;
	s13 =	sor.u32 $0x400, s13;
	s12 =	sadd.s32 s16, s12  }
0x13: {  	[hbm4b:s12+s13] =	stream.strided.scatter [tilespmem:s14], [sflag:$0x2], $0x2000, s8, s13, $0x20;
	[tilespmem:$0x8080] =	vst v63  }
.LBB1_5:
0x14: {  	s14 =	sadd.s32 $0x1, s9  }
0x15: {  	s12 =	sadd.s32 $0x1000, s10;
	s16 =	smov.u32 s10;
	p2 =	sgt.s32 s14, $0x19  }
0x16: {  	s16 =	smov.u32 @p2 s12  }
0x17: {  	s14 =	simm.s32 @p2 $0x0;
	p2 =	sgt.s32 s16, $0x3FFF  }
0x18: {  	s16 =	smov.u32 @p2 s2;
	p2 =	sne.s32 s11, s7  }
.Ltmp1:
0x19: {  	p1 =	slt.u32 s11, $0x2;
	(pc) =	sbr.rel @!p2 .LBB1_6-.Ltmp1, $4  }
0x1a: {  	s15 =	simm.s32 @!p1 $0x2  }
0x1b: {  	s13 =	smov.u32 s10;
	p0 =	por !p0, !p0;
	_ =	swait.ge @!p1 [sflag:s15], $0x2000  }
0x1c: {  	s12 =	smov.u32 s9;
	[sflag:s15] =	ssyncset.done @!p1 $0x0;
	s9 =	smov.u32 s14  }
0x1d: {  	s11 =	sadd.s32 $0x1, s11;
	[sflag:s15] =	ssyncadd.s32 @!p1 $0xFFFFE000;
	s10 =	smov.u32 s16  }
.LBB1_1:
0x1e: {  	p1 =	sge.u32 s11, s5  }
0x1f: {  	s31 =	sadd.s32 $0xFFFFFFFF, s11;
	s14 =	sxor.u32 @!p1 $0xFFFFFFFF, s11  }
0x20: {  	s15 =	sshll.u32 @!p1 s10, $0x9;
	s16 =	sshll.u32 @!p1 s9, $0x4;
	s17 =	simm.s32 @!p1 $0x1000  }
0x21: {  	s14 =	sshll.u32 @!p1 s14, $0xD;
	s16 =	sand.u32 @!p1 $0x1F0, s16;
	s15 =	sadd.s32 @!p1 s6, s15  }
0x22: {  	s14 =	sand.u32 @!p1 $0x2000, s14;
	s15 =	sadd.s32 @!p1 s16, s15;
	s16 =	simm.s32 @!p1 $0x40  }
0x23: {  	[tilespmem:s14], [sflag:$0x1] =	stream.strided.gather @!p1 [hbm4b:s15+s16], $0x2000, s17, s16, $0x38;
	[tilespmem:$0x8080] =	vst v63  }
0x24: {  	p1 =	sge.u32 s31, s5  }
.Ltmp2:
0x25: {  	_ = 	snop;
	(pc) =	sbr.rel @p1 .LBB1_5-.Ltmp2, $1  }
0x26: {  	_ =	sdelay $0x3  }
0x27: {  	s14 =	simm.s32 $0x1  }
0x28: {  	_ =	swait.ge [sflag:s4], $0x2000;
	s14 =	simm.s32 @!p0 $0x0  }
0x29: {  	[sflag:s4] =	ssyncset.done $0x0;
	s15 =	sshll.u32 s14, $0xD  }
0x2a: {  	[sflag:s4] =	ssyncadd.s32 $0xFFFFE000;
	s18 =	sor.u32 $0x20, s15  }
0x2b: {  	s14 =	smul.u32 $0x8100, s14;
	v3 =	vld [tilespmem:s18+$0x10]  }
0x2c: {  	s30 =	sand.u32 $0x1, s11;
	v2 =	vld [tilespmem:s18+$0xFFFFFFF0]  }
0x2d: {  	s15 =	smul.u32 $0x8100, s30;
	s14 =	sshrl.u32 s14, $0x2;
	v0 =	vld [tilespmem:s18+$0x0]  }
0x2e: {  	v1 =	vld [tilespmem:s18+$0xFFFFFFE0];
	s16 =	sor.u32 $0x4000, s14  }
0x2f: {  	s31 =	sshrl.u32 s15, $0x2;
	s15 =	sadd.s32 $0x0, s16  }
0x30: {  	s17 =	simm.s32 $0x4;
	s18 =	sadd.s32 $0x40, s18;
	s14 =	sor.u32 $0x4000, s31;
	[tilespmem:s15+$0x1830 ss:$0x81] =	vst.msk $0xffff, v3  }
.LBB1_3:
0x31: {  	v3 =	vld [tilespmem:s18+$0x10];
	p1 =	sne.s32 s17, $0x1FC;
	[tilespmem:s15+$0x810 ss:$0x81] =	vst.msk $0xffff, v2;
	s19 =	smov.u32 s17;
	s17 =	sadd.s32 $0x4, s17  }
.Ltmp3:
0x32: {  	v2 =	vld [tilespmem:s18+$0xFFFFFFF0];
	[tilespmem:s15+$0x1020 ss:$0x81] =	vst.msk $0xffff, v0;
	(pc) =	sbr.rel @p1 .LBB1_3-.Ltmp3, $4  }
0x33: {  	v0 =	vld [tilespmem:s18+$0x0];
	[tilespmem:s15+$0x0 ss:$0x81] =	vst.msk $0xffff, v1  }
0x34: {  	s15 =	sshra.s32 s19, $0x2;
	v1 =	vld [tilespmem:s18+$0xFFFFFFE0]  }
0x35: {  	s15 =	sadd.s32 s15, s16  }
0x36: {  	s18 =	sadd.s32 $0x40, s18;
	[tilespmem:s15+$0x1830 ss:$0x81] =	vst.msk $0xffff, v3  }
.Ltmp4:
0x37: {  	_ = 	snop;
	(pc) =	sbr.rel .LBB1_4-.Ltmp4, $1  }
0x38: {  	_ =	sdelay $0x3  }
.LBB1_6:
0x39: {  	_ =	sfence.sel $0x180000  }
0x3a: {  	s2 =	simm.s32 $0x1;
	[bflag:$0x0] =	sbarrier.arrive $0xFFFF  }
0x3b: {  	s31 =	simm.s32 $0x2;
	[sflag:s2] =	ssyncpa.u1 $0x1  }
0x3c: {  	[sflag:s31] =	ssyncpa.u1 $0x1  }
0x3d: {  	p0 =	sne.s32 s0, $0x0;
	_ =	strace $0x9000004A  }
0x3e: {  	s0 =	sadd.s32 @!p0 $0x100000, s1;
	[bflag:$0x2] =	sbarrier.arrive $0xFFFF  }
0x3f: {  	[sflag:s0] =	ssyncadd.tile.s32 @!p0 $0x1;
	_ =	shalt  }
.Lfunc_end1:
_tile_overlayer_lowered:
.L_overlay_start_2:
0x40: {  	(tag) =	ssettag $0x2  }
0x41: {  	s0 =	rddreg [dreg:$0x0];
	s2 =	stileid.u32  }
0x42: {  	s1 =	rddreg [dreg:$0x1];
	p0 =	sne.s32 s2, $0x0  }
0x43: {  	s3 =	rddreg [dreg:$0x2];
	[bflag:$0x3] =	sbarrier.arrive $0xFFFF;
	s2 =	simm.s32 @!p0 $0x1C01  }
0x44: {  	[timem:s3], [sflag:s2] =	dma.local @!p0 [hbm:s0], s1  }
0x45: {  	s0 =	simm.s32 @!p0 $0x1  }
0x46: {  	_ =	swait.ge @!p0 [sflag:s0], s1  }
0x47: {  	s1 =	ssub.s32 @!p0 $0x0, s1;
	[sflag:s0] =	ssyncset.done @!p0 $0x0  }
0x48: {  	[sflag:s0] =	ssyncadd.s32 @!p0 s1  }
0x49: {  	[bflag:$0x3] =	sbarrier.arrive $0xFFFF  }
0x4a: {  	_ =	shalt  }

</sc_bundles>
